<compile_context>
chip_gen: v7x
topology: tpu7x:2x2x1
jax: 0.10.2.dev20260603
libtpu: 0.0.44.dev20260713+nightly
codegen_flags: <defaults>
</compile_context>

<pallas_src>
import functools

import jax
import jax.numpy as jnp
from jax import lax
from jax.experimental import pallas as pl
from jax.experimental.pallas import tpu as pltpu
from jax.experimental.pallas import tpu_sc as plsc

VOCAB = 1000000
DIM = 64
BATCH, SEQ = 16384, 50
SEQP, LANES = 56, 128
TOTAL = BATCH * SEQ
NC, NS = 2, 16
NW = NC * NS
B_PER_W = BATCH // NW
CHUNK = 100
N_CHUNKS = B_PER_W * SEQ // CHUNK
GPC = 4
GROUP = CHUNK * GPC
BPG = GROUP // SEQ
PAIRS = N_CHUNKS // (2 * GPC)

_mesh = plsc.VectorSubcoreMesh(core_axis_name="c", subcore_axis_name="s")


@functools.partial(
    pl.kernel,
    mesh=_mesh,
    compiler_params=pltpu.CompilerParams(use_tc_tiling_on_sc=False,
                                         needs_layout_passes=False,
                                         disable_bounds_checks=True),
    out_type=jax.ShapeDtypeStruct((BATCH, SEQP, LANES), jnp.float32),
    scratch_types=[
        pltpu.VMEM((N_CHUNKS, CHUNK), jnp.int32),
        pltpu.VMEM((GROUP, DIM), jnp.float32),
        pltpu.VMEM((GROUP, DIM), jnp.float32),
        pltpu.SemaphoreType.DMA,
        pltpu.SemaphoreType.DMA,
        pltpu.SemaphoreType.DMA,
        pltpu.SemaphoreType.DMA,
    ],
)
def _embed_sc(x_hbm, w_hbm, out_hbm, idx_v, buf_a, buf_b, gsem_a, gsem_b,
              wsem_a, wsem_b):
    wid = lax.axis_index("s") * NC + lax.axis_index("c")
    bbase = wid * B_PER_W
    pltpu.sync_copy(x_hbm.at[wid], idx_v)

    def start_gathers(group, buf, sem):
        for c in range(GPC):
            pltpu.async_copy(w_hbm.at[idx_v.at[group * GPC + c]],
                             buf.at[pl.ds(c * CHUNK, CHUNK)], sem)

    def wait_gathers(buf, sem):
        for c in range(GPC):
            pltpu.make_async_copy(w_hbm.at[idx_v.at[0]],
                                  buf.at[pl.ds(c * CHUNK, CHUNK)], sem).wait()

    def start_writes(group, buf, sem):
        for i in range(BPG):
            pltpu.async_copy(
                buf.at[pl.ds(i * SEQ, SEQ)],
                out_hbm.at[bbase + group * BPG + i, pl.ds(0, SEQ),
                           pl.ds(0, DIM)],
                sem)

    def wait_writes(buf, sem):
        for i in range(BPG):
            pltpu.make_async_copy(
                buf.at[pl.ds(i * SEQ, SEQ)],
                out_hbm.at[0, pl.ds(0, SEQ), pl.ds(0, DIM)], sem).wait()

    start_gathers(0, buf_a, gsem_a)

    def body(k, carry):
        wait_gathers(buf_a, gsem_a)
        start_writes(2 * k, buf_a, wsem_a)

        @pl.when(k > 0)
        def _():
            wait_writes(buf_b, wsem_b)

        start_gathers(2 * k + 1, buf_b, gsem_b)

        wait_writes(buf_a, wsem_a)

        @pl.when(k < PAIRS - 1)
        def _():
            start_gathers(2 * k + 2, buf_a, gsem_a)

        wait_gathers(buf_b, gsem_b)
        start_writes(2 * k + 1, buf_b, wsem_b)
        return carry

    lax.fori_loop(0, PAIRS, body, 0)
    wait_writes(buf_b, wsem_b)


def kernel(x, weight):
    xf = x.reshape(NW, N_CHUNKS, CHUNK)
    out = _embed_sc(xf, weight)
    return out[:, :SEQ, :DIM]

# --- scband reference (transcript-rebuilt; emitter-appended) ---
"""Pipeline reference for scband-parallel-embedding-72060961292368 (READ-ONLY COPY).

The authoritative reference and input builder live on the scoring server;
editing this copy changes nothing except your own understanding.
"""

import jax, jax.numpy as jnp
import numpy as np

VOCAB = 1000000
DIM = 64

def setup_inputs(seed: int = 0) -> dict:
    key = jax.random.key(seed)
    k1, k2 = jax.random.split(key)
    x = jax.random.randint(k1, (16384, 50), 0, VOCAB, dtype=jnp.int64 if jax.config.jax_enable_x64 else jnp.int32)
    weight = jax.random.normal(k2, (VOCAB, DIM), dtype=jnp.float32) * 0.02
    return {"x": x, "weight": weight}

def reference(x, weight):
    # world_size == 1 path: plain embedding lookup F.embedding(x, weight)
    return jnp.take(weight, x, axis=0)

if __name__ == "__main__":
    import jax
    _d = setup_inputs()
    print(jax.jit(kernel)(*tuple(_d.values())))

</pallas_src>

<mosaic_0001>
#map = affine_map<(d0, d1) -> (0, 0, 0)>
#map1 = affine_map<(d0, d1) -> (0, 0)>
module attributes {stable_mosaic.version = 14 : i64} {
  func.func @_embed_sc(%arg0: i32, %arg1: i32, %arg2: memref<32x256x100xi32, #tpu.memory_space<hbm>>, %arg3: memref<1000000x64xf32, #tpu.memory_space<hbm>>, %arg4: memref<16384x56x128xf32, #tpu.memory_space<hbm>>, %arg5: memref<256x100xi32, #tpu.memory_space<vmem>>, %arg6: memref<400x64xf32, #tpu.memory_space<vmem>>, %arg7: memref<400x64xf32, #tpu.memory_space<vmem>>, %arg8: memref<!tpu.dma_semaphore, #tpu.memory_space<semaphore_mem>>, %arg9: memref<!tpu.dma_semaphore, #tpu.memory_space<semaphore_mem>>, %arg10: memref<!tpu.dma_semaphore, #tpu.memory_space<semaphore_mem>>, %arg11: memref<!tpu.dma_semaphore, #tpu.memory_space<semaphore_mem>>) attributes {dimension_semantics = [#tpu.dimension_semantics<core_parallel>, #tpu.dimension_semantics<subcore_parallel>], iteration_bounds = array<i64: 2, 16>, scalar_prefetch = 0 : i64, scratch_operands = 7 : i64, tpu.core_type = #tpu.core_type<sc_vector_subcore>, window_params = [{transform_indices = #map}, {transform_indices = #map1}, {transform_indices = #map}]} {
    %mul3A = arith.constant 2 : i32
    %mul3A_0 = arith.muli %arg1, %mul3A : i32
    %add3A = arith.addi %mul3A_0, %arg0 : i32
    %mul3A_1 = arith.constant 512 : i32
    %mul3A_2 = arith.muli %add3A, %mul3A_1 : i32
    "tpu.region"() ({
      %run_scoped3A = tpu.sem_alloc : memref<!tpu.dma_semaphore, #tpu.memory_space<semaphore_mem>>
      %dma_start3A_166 = arith.constant 0 : i32
      %dma_start3A_167 = arith.constant 0 : i32
      %dma_start3A_168 = tpu.memref_slice %arg2[%add3A, %dma_start3A_166, %dma_start3A_167] : memref<32x256x100xi32, #tpu.memory_space<hbm>> -> memref<1x256x100xi32, #tpu.memory_space<hbm>>
      %dma_start3A_169 = tpu.memref_squeeze %dma_start3A_168 : memref<1x256x100xi32, #tpu.memory_space<hbm>> -> memref<256x100xi32, #tpu.memory_space<hbm>>
      %dma_start3A_170 = arith.constant 0 : i32
      %dma_start3A_171 = arith.constant 0 : i32
      %dma_start3A_172 = tpu.memref_slice %arg2[%add3A, %dma_start3A_170, %dma_start3A_171] : memref<32x256x100xi32, #tpu.memory_space<hbm>> -> memref<1x256x100xi32, #tpu.memory_space<hbm>>
      %dma_start3A_173 = tpu.memref_squeeze %dma_start3A_172 : memref<1x256x100xi32, #tpu.memory_space<hbm>> -> memref<256x100xi32, #tpu.memory_space<hbm>>
      tpu.enqueue_dma source(%dma_start3A_173 : memref<256x100xi32, #tpu.memory_space<hbm>>) target(%arg5 : memref<256x100xi32, #tpu.memory_space<vmem>>) target_semaphore(%run_scoped3A : memref<!tpu.dma_semaphore, #tpu.memory_space<semaphore_mem>>)
      %dma_wait3A_174 = arith.constant 0 : i32
      %dma_wait3A_175 = arith.constant 0 : i32
      %dma_wait3A_176 = tpu.memref_slice %arg2[%add3A, %dma_wait3A_174, %dma_wait3A_175] : memref<32x256x100xi32, #tpu.memory_space<hbm>> -> memref<1x256x100xi32, #tpu.memory_space<hbm>>
      %dma_wait3A_177 = tpu.memref_squeeze %dma_wait3A_176 : memref<1x256x100xi32, #tpu.memory_space<hbm>> -> memref<256x100xi32, #tpu.memory_space<hbm>>
      %dma_wait3A_178 = arith.constant 0 : i32
      %dma_wait3A_179 = arith.constant 0 : i32
      %dma_wait3A_180 = tpu.memref_slice %arg2[%add3A, %dma_wait3A_178, %dma_wait3A_179] : memref<32x256x100xi32, #tpu.memory_space<hbm>> -> memref<1x256x100xi32, #tpu.memory_space<hbm>>
      %dma_wait3A_181 = tpu.memref_squeeze %dma_wait3A_180 : memref<1x256x100xi32, #tpu.memory_space<hbm>> -> memref<256x100xi32, #tpu.memory_space<hbm>>
      tpu.wait_dma2 semaphore(%run_scoped3A : memref<!tpu.dma_semaphore, #tpu.memory_space<semaphore_mem>>) src(%dma_wait3A_181 : memref<256x100xi32, #tpu.memory_space<hbm>>) dst(%arg5 : memref<256x100xi32, #tpu.memory_space<vmem>>)
      tpu.yield
    }) : () -> ()
    %dma_start3A = arith.constant 0 : i32
    %dma_start3A_3 = arith.constant 0 : i32
    %dma_start3A_4 = arith.constant 0 : i32
    %dma_start3A_5 = tpu.memref_slice %arg6[%dma_start3A_3, %dma_start3A_4] : memref<400x64xf32, #tpu.memory_space<vmem>> -> memref<100x64xf32, #tpu.memory_space<vmem>>
    %dma_start3A_6 = arith.constant 0 : i32
    %dma_start3A_7 = tpu.memref_slice %arg5[%dma_start3A, %dma_start3A_6] : memref<256x100xi32, #tpu.memory_space<vmem>> -> memref<1x100xi32, #tpu.memory_space<vmem>>
    %dma_start3A_8 = tpu.memref_squeeze %dma_start3A_7 : memref<1x100xi32, #tpu.memory_space<vmem>> -> memref<100xi32, #tpu.memory_space<vmem>>
    %dma_start3A_9 = arith.constant 0 : i32
    %dma_start3A_10 = arith.constant 0 : i32
    %dma_start3A_11 = tpu.memref_slice %arg3[%dma_start3A_9, %dma_start3A_10] : memref<1000000x64xf32, #tpu.memory_space<hbm>> -> memref<1000000x64xf32, #tpu.memory_space<hbm>>
    tpu.enqueue_indirect_dma source(%dma_start3A_11 : memref<1000000x64xf32, #tpu.memory_space<hbm>>) target(%dma_start3A_5 : memref<100x64xf32, #tpu.memory_space<vmem>>) offsets(%dma_start3A_8 : memref<100xi32, #tpu.memory_space<vmem>>) semaphore(%arg8 : memref<!tpu.dma_semaphore, #tpu.memory_space<semaphore_mem>>)
    %dma_start3A_12 = arith.constant 1 : i32
    %dma_start3A_13 = arith.constant 100 : i32
    %dma_start3A_14 = arith.constant 0 : i32
    %dma_start3A_15 = tpu.memref_slice %arg6[%dma_start3A_13, %dma_start3A_14] : memref<400x64xf32, #tpu.memory_space<vmem>> -> memref<100x64xf32, #tpu.memory_space<vmem>>
    %dma_start3A_16 = arith.constant 0 : i32
    %dma_start3A_17 = tpu.memref_slice %arg5[%dma_start3A_12, %dma_start3A_16] : memref<256x100xi32, #tpu.memory_space<vmem>> -> memref<1x100xi32, #tpu.memory_space<vmem>>
    %dma_start3A_18 = tpu.memref_squeeze %dma_start3A_17 : memref<1x100xi32, #tpu.memory_space<vmem>> -> memref<100xi32, #tpu.memory_space<vmem>>
    %dma_start3A_19 = arith.constant 0 : i32
    %dma_start3A_20 = arith.constant 0 : i32
    %dma_start3A_21 = tpu.memref_slice %arg3[%dma_start3A_19, %dma_start3A_20] : memref<1000000x64xf32, #tpu.memory_space<hbm>> -> memref<1000000x64xf32, #tpu.memory_space<hbm>>
    tpu.enqueue_indirect_dma source(%dma_start3A_21 : memref<1000000x64xf32, #tpu.memory_space<hbm>>) target(%dma_start3A_15 : memref<100x64xf32, #tpu.memory_space<vmem>>) offsets(%dma_start3A_18 : memref<100xi32, #tpu.memory_space<vmem>>) semaphore(%arg8 : memref<!tpu.dma_semaphore, #tpu.memory_space<semaphore_mem>>)
    %dma_start3A_22 = arith.constant 2 : i32
    %dma_start3A_23 = arith.constant 200 : i32
    %dma_start3A_24 = arith.constant 0 : i32
    %dma_start3A_25 = tpu.memref_slice %arg6[%dma_start3A_23, %dma_start3A_24] : memref<400x64xf32, #tpu.memory_space<vmem>> -> memref<100x64xf32, #tpu.memory_space<vmem>>
    %dma_start3A_26 = arith.constant 0 : i32
    %dma_start3A_27 = tpu.memref_slice %arg5[%dma_start3A_22, %dma_start3A_26] : memref<256x100xi32, #tpu.memory_space<vmem>> -> memref<1x100xi32, #tpu.memory_space<vmem>>
    %dma_start3A_28 = tpu.memref_squeeze %dma_start3A_27 : memref<1x100xi32, #tpu.memory_space<vmem>> -> memref<100xi32, #tpu.memory_space<vmem>>
    %dma_start3A_29 = arith.constant 0 : i32
    %dma_start3A_30 = arith.constant 0 : i32
    %dma_start3A_31 = tpu.memref_slice %arg3[%dma_start3A_29, %dma_start3A_30] : memref<1000000x64xf32, #tpu.memory_space<hbm>> -> memref<1000000x64xf32, #tpu.memory_space<hbm>>
    tpu.enqueue_indirect_dma source(%dma_start3A_31 : memref<1000000x64xf32, #tpu.memory_space<hbm>>) target(%dma_start3A_25 : memref<100x64xf32, #tpu.memory_space<vmem>>) offsets(%dma_start3A_28 : memref<100xi32, #tpu.memory_space<vmem>>) semaphore(%arg8 : memref<!tpu.dma_semaphore, #tpu.memory_space<semaphore_mem>>)
    %dma_start3A_32 = arith.constant 3 : i32
    %dma_start3A_33 = arith.constant 300 : i32
    %dma_start3A_34 = arith.constant 0 : i32
    %dma_start3A_35 = tpu.memref_slice %arg6[%dma_start3A_33, %dma_start3A_34] : memref<400x64xf32, #tpu.memory_space<vmem>> -> memref<100x64xf32, #tpu.memory_space<vmem>>
    %dma_start3A_36 = arith.constant 0 : i32
    %dma_start3A_37 = tpu.memref_slice %arg5[%dma_start3A_32, %dma_start3A_36] : memref<256x100xi32, #tpu.memory_space<vmem>> -> memref<1x100xi32, #tpu.memory_space<vmem>>
    %dma_start3A_38 = tpu.memref_squeeze %dma_start3A_37 : memref<1x100xi32, #tpu.memory_space<vmem>> -> memref<100xi32, #tpu.memory_space<vmem>>
    %dma_start3A_39 = arith.constant 0 : i32
    %dma_start3A_40 = arith.constant 0 : i32
    %dma_start3A_41 = tpu.memref_slice %arg3[%dma_start3A_39, %dma_start3A_40] : memref<1000000x64xf32, #tpu.memory_space<hbm>> -> memref<1000000x64xf32, #tpu.memory_space<hbm>>
    tpu.enqueue_indirect_dma source(%dma_start3A_41 : memref<1000000x64xf32, #tpu.memory_space<hbm>>) target(%dma_start3A_35 : memref<100x64xf32, #tpu.memory_space<vmem>>) offsets(%dma_start3A_38 : memref<100xi32, #tpu.memory_space<vmem>>) semaphore(%arg8 : memref<!tpu.dma_semaphore, #tpu.memory_space<semaphore_mem>>)
    %scan3A = arith.constant 0 : i32
    %scan3A_42 = arith.constant 0 : i32
    %scan3A_43 = arith.constant 32 : i32
    %scan3A_44 = arith.addi %scan3A_42, %scan3A_43 : i32
    %scan3A_45 = arith.constant 1 : i32
    scf.for %scan3A_166 = %scan3A_42 to %scan3A_44 step %scan3A_45  : i32 {
      %dma_wait3A_167 = arith.constant 0 : i32
      %dma_wait3A_168 = arith.constant 0 : i32
      %dma_wait3A_169 = arith.constant 0 : i32
      %dma_wait3A_170 = tpu.memref_slice %arg6[%dma_wait3A_168, %dma_wait3A_169] : memref<400x64xf32, #tpu.memory_space<vmem>> -> memref<100x64xf32, #tpu.memory_space<vmem>>
      %dma_wait3A_171 = arith.constant 0 : i32
      %dma_wait3A_172 = tpu.memref_slice %arg5[%dma_wait3A_167, %dma_wait3A_171] : memref<256x100xi32, #tpu.memory_space<vmem>> -> memref<1x100xi32, #tpu.memory_space<vmem>>
      %dma_wait3A_173 = tpu.memref_squeeze %dma_wait3A_172 : memref<1x100xi32, #tpu.memory_space<vmem>> -> memref<100xi32, #tpu.memory_space<vmem>>
      %dma_wait3A_174 = arith.constant 0 : i32
      %dma_wait3A_175 = arith.constant 0 : i32
      %dma_wait3A_176 = tpu.memref_slice %arg3[%dma_wait3A_174, %dma_wait3A_175] : memref<1000000x64xf32, #tpu.memory_space<hbm>> -> memref<1000000x64xf32, #tpu.memory_space<hbm>>
      tpu.wait_indirect_dma semaphore(%arg8 : memref<!tpu.dma_semaphore, #tpu.memory_space<semaphore_mem>>) src(%dma_wait3A_176 : memref<1000000x64xf32, #tpu.memory_space<hbm>>) dst(%dma_wait3A_170 : memref<100x64xf32, #tpu.memory_space<vmem>>)
      %dma_wait3A_177 = arith.constant 0 : i32
      %dma_wait3A_178 = arith.constant 100 : i32
      %dma_wait3A_179 = arith.constant 0 : i32
      %dma_wait3A_180 = tpu.memref_slice %arg6[%dma_wait3A_178, %dma_wait3A_179] : memref<400x64xf32, #tpu.memory_space<vmem>> -> memref<100x64xf32, #tpu.memory_space<vmem>>
      %dma_wait3A_181 = arith.constant 0 : i32
      %dma_wait3A_182 = tpu.memref_slice %arg5[%dma_wait3A_177, %dma_wait3A_181] : memref<256x100xi32, #tpu.memory_space<vmem>> -> memref<1x100xi32, #tpu.memory_space<vmem>>
      %dma_wait3A_183 = tpu.memref_squeeze %dma_wait3A_182 : memref<1x100xi32, #tpu.memory_space<vmem>> -> memref<100xi32, #tpu.memory_space<vmem>>
      %dma_wait3A_184 = arith.constant 0 : i32
      %dma_wait3A_185 = arith.constant 0 : i32
      %dma_wait3A_186 = tpu.memref_slice %arg3[%dma_wait3A_184, %dma_wait3A_185] : memref<1000000x64xf32, #tpu.memory_space<hbm>> -> memref<1000000x64xf32, #tpu.memory_space<hbm>>
      tpu.wait_indirect_dma semaphore(%arg8 : memref<!tpu.dma_semaphore, #tpu.memory_space<semaphore_mem>>) src(%dma_wait3A_186 : memref<1000000x64xf32, #tpu.memory_space<hbm>>) dst(%dma_wait3A_180 : memref<100x64xf32, #tpu.memory_space<vmem>>)
      %dma_wait3A_187 = arith.constant 0 : i32
      %dma_wait3A_188 = arith.constant 200 : i32
      %dma_wait3A_189 = arith.constant 0 : i32
      %dma_wait3A_190 = tpu.memref_slice %arg6[%dma_wait3A_188, %dma_wait3A_189] : memref<400x64xf32, #tpu.memory_space<vmem>> -> memref<100x64xf32, #tpu.memory_space<vmem>>
      %dma_wait3A_191 = arith.constant 0 : i32
      %dma_wait3A_192 = tpu.memref_slice %arg5[%dma_wait3A_187, %dma_wait3A_191] : memref<256x100xi32, #tpu.memory_space<vmem>> -> memref<1x100xi32, #tpu.memory_space<vmem>>
      %dma_wait3A_193 = tpu.memref_squeeze %dma_wait3A_192 : memref<1x100xi32, #tpu.memory_space<vmem>> -> memref<100xi32, #tpu.memory_space<vmem>>
      %dma_wait3A_194 = arith.constant 0 : i32
      %dma_wait3A_195 = arith.constant 0 : i32
      %dma_wait3A_196 = tpu.memref_slice %arg3[%dma_wait3A_194, %dma_wait3A_195] : memref<1000000x64xf32, #tpu.memory_space<hbm>> -> memref<1000000x64xf32, #tpu.memory_space<hbm>>
      tpu.wait_indirect_dma semaphore(%arg8 : memref<!tpu.dma_semaphore, #tpu.memory_space<semaphore_mem>>) src(%dma_wait3A_196 : memref<1000000x64xf32, #tpu.memory_space<hbm>>) dst(%dma_wait3A_190 : memref<100x64xf32, #tpu.memory_space<vmem>>)
      %dma_wait3A_197 = arith.constant 0 : i32
      %dma_wait3A_198 = arith.constant 300 : i32
      %dma_wait3A_199 = arith.constant 0 : i32
      %dma_wait3A_200 = tpu.memref_slice %arg6[%dma_wait3A_198, %dma_wait3A_199] : memref<400x64xf32, #tpu.memory_space<vmem>> -> memref<100x64xf32, #tpu.memory_space<vmem>>
      %dma_wait3A_201 = arith.constant 0 : i32
      %dma_wait3A_202 = tpu.memref_slice %arg5[%dma_wait3A_197, %dma_wait3A_201] : memref<256x100xi32, #tpu.memory_space<vmem>> -> memref<1x100xi32, #tpu.memory_space<vmem>>
      %dma_wait3A_203 = tpu.memref_squeeze %dma_wait3A_202 : memref<1x100xi32, #tpu.memory_space<vmem>> -> memref<100xi32, #tpu.memory_space<vmem>>
      %dma_wait3A_204 = arith.constant 0 : i32
      %dma_wait3A_205 = arith.constant 0 : i32
      %dma_wait3A_206 = tpu.memref_slice %arg3[%dma_wait3A_204, %dma_wait3A_205] : memref<1000000x64xf32, #tpu.memory_space<hbm>> -> memref<1000000x64xf32, #tpu.memory_space<hbm>>
      tpu.wait_indirect_dma semaphore(%arg8 : memref<!tpu.dma_semaphore, #tpu.memory_space<semaphore_mem>>) src(%dma_wait3A_206 : memref<1000000x64xf32, #tpu.memory_space<hbm>>) dst(%dma_wait3A_200 : memref<100x64xf32, #tpu.memory_space<vmem>>)
      %mul3A_207 = arith.constant 2 : i32
      %mul3A_208 = arith.muli %mul3A_207, %scan3A_166 : i32
      %mul3A_209 = arith.constant 8 : i32
      %mul3A_210 = arith.muli %mul3A_208, %mul3A_209 : i32
      %add3A_211 = arith.addi %mul3A_2, %mul3A_210 : i32
      %add3A_212 = arith.constant 0 : i32
      %add3A_213 = arith.addi %add3A_211, %add3A_212 : i32
      %dma_start3A_214 = arith.constant 0 : i32
      %dma_start3A_215 = arith.constant 0 : i32
      %dma_start3A_216 = tpu.memref_slice %arg6[%dma_start3A_214, %dma_start3A_215] : memref<400x64xf32, #tpu.memory_space<vmem>> -> memref<50x64xf32, #tpu.memory_space<vmem>>
      %dma_start3A_217 = arith.constant 0 : i32
      %dma_start3A_218 = arith.constant 0 : i32
      %dma_start3A_219 = tpu.memref_slice %arg4[%add3A_213, %dma_start3A_217, %dma_start3A_218] : memref<16384x56x128xf32, #tpu.memory_space<hbm>> -> memref<1x50x64xf32, #tpu.memory_space<hbm>>
      %dma_start3A_220 = tpu.memref_squeeze %dma_start3A_219 : memref<1x50x64xf32, #tpu.memory_space<hbm>> -> memref<50x64xf32, #tpu.memory_space<hbm>>
      %dma_start3A_221 = arith.constant 0 : i32
      %dma_start3A_222 = arith.constant 0 : i32
      %dma_start3A_223 = tpu.memref_slice %arg4[%add3A_213, %dma_start3A_221, %dma_start3A_222] : memref<16384x56x128xf32, #tpu.memory_space<hbm>> -> memref<1x50x64xf32, #tpu.memory_space<hbm>>
      %dma_start3A_224 = tpu.memref_squeeze %dma_start3A_223 : memref<1x50x64xf32, #tpu.memory_space<hbm>> -> memref<50x64xf32, #tpu.memory_space<hbm>>
      %dma_start3A_225 = arith.constant 0 : i32
      %dma_start3A_226 = arith.constant 0 : i32
      %dma_start3A_227 = tpu.memref_slice %arg6[%dma_start3A_225, %dma_start3A_226] : memref<400x64xf32, #tpu.memory_space<vmem>> -> memref<50x64xf32, #tpu.memory_space<vmem>>
      tpu.enqueue_dma source(%dma_start3A_227 : memref<50x64xf32, #tpu.memory_space<vmem>>) target(%dma_start3A_224 : memref<50x64xf32, #tpu.memory_space<hbm>>) target_semaphore(%arg10 : memref<!tpu.dma_semaphore, #tpu.memory_space<semaphore_mem>>)
      %mul3A_228 = arith.constant 8 : i32
      %mul3A_229 = arith.muli %mul3A_208, %mul3A_228 : i32
      %add3A_230 = arith.addi %mul3A_2, %mul3A_229 : i32
      %add3A_231 = arith.constant 1 : i32
      %add3A_232 = arith.addi %add3A_230, %add3A_231 : i32
      %dma_start3A_233 = arith.constant 50 : i32
      %dma_start3A_234 = arith.constant 0 : i32
      %dma_start3A_235 = tpu.memref_slice %arg6[%dma_start3A_233, %dma_start3A_234] : memref<400x64xf32, #tpu.memory_space<vmem>> -> memref<50x64xf32, #tpu.memory_space<vmem>>
      %dma_start3A_236 = arith.constant 0 : i32
      %dma_start3A_237 = arith.constant 0 : i32
      %dma_start3A_238 = tpu.memref_slice %arg4[%add3A_232, %dma_start3A_236, %dma_start3A_237] : memref<16384x56x128xf32, #tpu.memory_space<hbm>> -> memref<1x50x64xf32, #tpu.memory_space<hbm>>
      %dma_start3A_239 = tpu.memref_squeeze %dma_start3A_238 : memref<1x50x64xf32, #tpu.memory_space<hbm>> -> memref<50x64xf32, #tpu.memory_space<hbm>>
      %dma_start3A_240 = arith.constant 0 : i32
      %dma_start3A_241 = arith.constant 0 : i32
      %dma_start3A_242 = tpu.memref_slice %arg4[%add3A_232, %dma_start3A_240, %dma_start3A_241] : memref<16384x56x128xf32, #tpu.memory_space<hbm>> -> memref<1x50x64xf32, #tpu.memory_space<hbm>>
      %dma_start3A_243 = tpu.memref_squeeze %dma_start3A_242 : memref<1x50x64xf32, #tpu.memory_space<hbm>> -> memref<50x64xf32, #tpu.memory_space<hbm>>
      %dma_start3A_244 = arith.constant 50 : i32
      %dma_start3A_245 = arith.constant 0 : i32
      %dma_start3A_246 = tpu.memref_slice %arg6[%dma_start3A_244, %dma_start3A_245] : memref<400x64xf32, #tpu.memory_space<vmem>> -> memref<50x64xf32, #tpu.memory_space<vmem>>
      tpu.enqueue_dma source(%dma_start3A_246 : memref<50x64xf32, #tpu.memory_space<vmem>>) target(%dma_start3A_243 : memref<50x64xf32, #tpu.memory_space<hbm>>) target_semaphore(%arg10 : memref<!tpu.dma_semaphore, #tpu.memory_space<semaphore_mem>>)
      %mul3A_247 = arith.constant 8 : i32
      %mul3A_248 = arith.muli %mul3A_208, %mul3A_247 : i32
      %add3A_249 = arith.addi %mul3A_2, %mul3A_248 : i32
      %add3A_250 = arith.constant 2 : i32
      %add3A_251 = arith.addi %add3A_249, %add3A_250 : i32
      %dma_start3A_252 = arith.constant 100 : i32
      %dma_start3A_253 = arith.constant 0 : i32
      %dma_start3A_254 = tpu.memref_slice %arg6[%dma_start3A_252, %dma_start3A_253] : memref<400x64xf32, #tpu.memory_space<vmem>> -> memref<50x64xf32, #tpu.memory_space<vmem>>
      %dma_start3A_255 = arith.constant 0 : i32
      %dma_start3A_256 = arith.constant 0 : i32
      %dma_start3A_257 = tpu.memref_slice %arg4[%add3A_251, %dma_start3A_255, %dma_start3A_256] : memref<16384x56x128xf32, #tpu.memory_space<hbm>> -> memref<1x50x64xf32, #tpu.memory_space<hbm>>
      %dma_start3A_258 = tpu.memref_squeeze %dma_start3A_257 : memref<1x50x64xf32, #tpu.memory_space<hbm>> -> memref<50x64xf32, #tpu.memory_space<hbm>>
      %dma_start3A_259 = arith.constant 0 : i32
      %dma_start3A_260 = arith.constant 0 : i32
      %dma_start3A_261 = tpu.memref_slice %arg4[%add3A_251, %dma_start3A_259, %dma_start3A_260] : memref<16384x56x128xf32, #tpu.memory_space<hbm>> -> memref<1x50x64xf32, #tpu.memory_space<hbm>>
      %dma_start3A_262 = tpu.memref_squeeze %dma_start3A_261 : memref<1x50x64xf32, #tpu.memory_space<hbm>> -> memref<50x64xf32, #tpu.memory_space<hbm>>
      %dma_start3A_263 = arith.constant 100 : i32
      %dma_start3A_264 = arith.constant 0 : i32
      %dma_start3A_265 = tpu.memref_slice %arg6[%dma_start3A_263, %dma_start3A_264] : memref<400x64xf32, #tpu.memory_space<vmem>> -> memref<50x64xf32, #tpu.memory_space<vmem>>
      tpu.enqueue_dma source(%dma_start3A_265 : memref<50x64xf32, #tpu.memory_space<vmem>>) target(%dma_start3A_262 : memref<50x64xf32, #tpu.memory_space<hbm>>) target_semaphore(%arg10 : memref<!tpu.dma_semaphore, #tpu.memory_space<semaphore_mem>>)
      %mul3A_266 = arith.constant 8 : i32
      %mul3A_267 = arith.muli %mul3A_208, %mul3A_266 : i32
      %add3A_268 = arith.addi %mul3A_2, %mul3A_267 : i32
      %add3A_269 = arith.constant 3 : i32
      %add3A_270 = arith.addi %add3A_268, %add3A_269 : i32
      %dma_start3A_271 = arith.constant 150 : i32
      %dma_start3A_272 = arith.constant 0 : i32
      %dma_start3A_273 = tpu.memref_slice %arg6[%dma_start3A_271, %dma_start3A_272] : memref<400x64xf32, #tpu.memory_space<vmem>> -> memref<50x64xf32, #tpu.memory_space<vmem>>
      %dma_start3A_274 = arith.constant 0 : i32
      %dma_start3A_275 = arith.constant 0 : i32
      %dma_start3A_276 = tpu.memref_slice %arg4[%add3A_270, %dma_start3A_274, %dma_start3A_275] : memref<16384x56x128xf32, #tpu.memory_space<hbm>> -> memref<1x50x64xf32, #tpu.memory_space<hbm>>
      %dma_start3A_277 = tpu.memref_squeeze %dma_start3A_276 : memref<1x50x64xf32, #tpu.memory_space<hbm>> -> memref<50x64xf32, #tpu.memory_space<hbm>>
      %dma_start3A_278 = arith.constant 0 : i32
      %dma_start3A_279 = arith.constant 0 : i32
      %dma_start3A_280 = tpu.memref_slice %arg4[%add3A_270, %dma_start3A_278, %dma_start3A_279] : memref<16384x56x128xf32, #tpu.memory_space<hbm>> -> memref<1x50x64xf32, #tpu.memory_space<hbm>>
      %dma_start3A_281 = tpu.memref_squeeze %dma_start3A_280 : memref<1x50x64xf32, #tpu.memory_space<hbm>> -> memref<50x64xf32, #tpu.memory_space<hbm>>
      %dma_start3A_282 = arith.constant 150 : i32
      %dma_start3A_283 = arith.constant 0 : i32
      %dma_start3A_284 = tpu.memref_slice %arg6[%dma_start3A_282, %dma_start3A_283] : memref<400x64xf32, #tpu.memory_space<vmem>> -> memref<50x64xf32, #tpu.memory_space<vmem>>
      tpu.enqueue_dma source(%dma_start3A_284 : memref<50x64xf32, #tpu.memory_space<vmem>>) target(%dma_start3A_281 : memref<50x64xf32, #tpu.memory_space<hbm>>) target_semaphore(%arg10 : memref<!tpu.dma_semaphore, #tpu.memory_space<semaphore_mem>>)
      %mul3A_285 = arith.constant 8 : i32
      %mul3A_286 = arith.muli %mul3A_208, %mul3A_285 : i32
      %add3A_287 = arith.addi %mul3A_2, %mul3A_286 : i32
      %add3A_288 = arith.constant 4 : i32
      %add3A_289 = arith.addi %add3A_287, %add3A_288 : i32
      %dma_start3A_290 = arith.constant 200 : i32
      %dma_start3A_291 = arith.constant 0 : i32
      %dma_start3A_292 = tpu.memref_slice %arg6[%dma_start3A_290, %dma_start3A_291] : memref<400x64xf32, #tpu.memory_space<vmem>> -> memref<50x64xf32, #tpu.memory_space<vmem>>
      %dma_start3A_293 = arith.constant 0 : i32
      %dma_start3A_294 = arith.constant 0 : i32
      %dma_start3A_295 = tpu.memref_slice %arg4[%add3A_289, %dma_start3A_293, %dma_start3A_294] : memref<16384x56x128xf32, #tpu.memory_space<hbm>> -> memref<1x50x64xf32, #tpu.memory_space<hbm>>
      %dma_start3A_296 = tpu.memref_squeeze %dma_start3A_295 : memref<1x50x64xf32, #tpu.memory_space<hbm>> -> memref<50x64xf32, #tpu.memory_space<hbm>>
      %dma_start3A_297 = arith.constant 0 : i32
      %dma_start3A_298 = arith.constant 0 : i32
      %dma_start3A_299 = tpu.memref_slice %arg4[%add3A_289, %dma_start3A_297, %dma_start3A_298] : memref<16384x56x128xf32, #tpu.memory_space<hbm>> -> memref<1x50x64xf32, #tpu.memory_space<hbm>>
      %dma_start3A_300 = tpu.memref_squeeze %dma_start3A_299 : memref<1x50x64xf32, #tpu.memory_space<hbm>> -> memref<50x64xf32, #tpu.memory_space<hbm>>
      %dma_start3A_301 = arith.constant 200 : i32
      %dma_start3A_302 = arith.constant 0 : i32
      %dma_start3A_303 = tpu.memref_slice %arg6[%dma_start3A_301, %dma_start3A_302] : memref<400x64xf32, #tpu.memory_space<vmem>> -> memref<50x64xf32, #tpu.memory_space<vmem>>
      tpu.enqueue_dma source(%dma_start3A_303 : memref<50x64xf32, #tpu.memory_space<vmem>>) target(%dma_start3A_300 : memref<50x64xf32, #tpu.memory_space<hbm>>) target_semaphore(%arg10 : memref<!tpu.dma_semaphore, #tpu.memory_space<semaphore_mem>>)
      %mul3A_304 = arith.constant 8 : i32
      %mul3A_305 = arith.muli %mul3A_208, %mul3A_304 : i32
      %add3A_306 = arith.addi %mul3A_2, %mul3A_305 : i32
      %add3A_307 = arith.constant 5 : i32
      %add3A_308 = arith.addi %add3A_306, %add3A_307 : i32
      %dma_start3A_309 = arith.constant 250 : i32
      %dma_start3A_310 = arith.constant 0 : i32
      %dma_start3A_311 = tpu.memref_slice %arg6[%dma_start3A_309, %dma_start3A_310] : memref<400x64xf32, #tpu.memory_space<vmem>> -> memref<50x64xf32, #tpu.memory_space<vmem>>
      %dma_start3A_312 = arith.constant 0 : i32
      %dma_start3A_313 = arith.constant 0 : i32
      %dma_start3A_314 = tpu.memref_slice %arg4[%add3A_308, %dma_start3A_312, %dma_start3A_313] : memref<16384x56x128xf32, #tpu.memory_space<hbm>> -> memref<1x50x64xf32, #tpu.memory_space<hbm>>
      %dma_start3A_315 = tpu.memref_squeeze %dma_start3A_314 : memref<1x50x64xf32, #tpu.memory_space<hbm>> -> memref<50x64xf32, #tpu.memory_space<hbm>>
      %dma_start3A_316 = arith.constant 0 : i32
      %dma_start3A_317 = arith.constant 0 : i32
      %dma_start3A_318 = tpu.memref_slice %arg4[%add3A_308, %dma_start3A_316, %dma_start3A_317] : memref<16384x56x128xf32, #tpu.memory_space<hbm>> -> memref<1x50x64xf32, #tpu.memory_space<hbm>>
      %dma_start3A_319 = tpu.memref_squeeze %dma_start3A_318 : memref<1x50x64xf32, #tpu.memory_space<hbm>> -> memref<50x64xf32, #tpu.memory_space<hbm>>
      %dma_start3A_320 = arith.constant 250 : i32
      %dma_start3A_321 = arith.constant 0 : i32
      %dma_start3A_322 = tpu.memref_slice %arg6[%dma_start3A_320, %dma_start3A_321] : memref<400x64xf32, #tpu.memory_space<vmem>> -> memref<50x64xf32, #tpu.memory_space<vmem>>
      tpu.enqueue_dma source(%dma_start3A_322 : memref<50x64xf32, #tpu.memory_space<vmem>>) target(%dma_start3A_319 : memref<50x64xf32, #tpu.memory_space<hbm>>) target_semaphore(%arg10 : memref<!tpu.dma_semaphore, #tpu.memory_space<semaphore_mem>>)
      %mul3A_323 = arith.constant 8 : i32
      %mul3A_324 = arith.muli %mul3A_208, %mul3A_323 : i32
      %add3A_325 = arith.addi %mul3A_2, %mul3A_324 : i32
      %add3A_326 = arith.constant 6 : i32
      %add3A_327 = arith.addi %add3A_325, %add3A_326 : i32
      %dma_start3A_328 = arith.constant 300 : i32
      %dma_start3A_329 = arith.constant 0 : i32
      %dma_start3A_330 = tpu.memref_slice %arg6[%dma_start3A_328, %dma_start3A_329] : memref<400x64xf32, #tpu.memory_space<vmem>> -> memref<50x64xf32, #tpu.memory_space<vmem>>
      %dma_start3A_331 = arith.constant 0 : i32
      %dma_start3A_332 = arith.constant 0 : i32
      %dma_start3A_333 = tpu.memref_slice %arg4[%add3A_327, %dma_start3A_331, %dma_start3A_332] : memref<16384x56x128xf32, #tpu.memory_space<hbm>> -> memref<1x50x64xf32, #tpu.memory_space<hbm>>
      %dma_start3A_334 = tpu.memref_squeeze %dma_start3A_333 : memref<1x50x64xf32, #tpu.memory_space<hbm>> -> memref<50x64xf32, #tpu.memory_space<hbm>>
      %dma_start3A_335 = arith.constant 0 : i32
      %dma_start3A_336 = arith.constant 0 : i32
      %dma_start3A_337 = tpu.memref_slice %arg4[%add3A_327, %dma_start3A_335, %dma_start3A_336] : memref<16384x56x128xf32, #tpu.memory_space<hbm>> -> memref<1x50x64xf32, #tpu.memory_space<hbm>>
      %dma_start3A_338 = tpu.memref_squeeze %dma_start3A_337 : memref<1x50x64xf32, #tpu.memory_space<hbm>> -> memref<50x64xf32, #tpu.memory_space<hbm>>
      %dma_start3A_339 = arith.constant 300 : i32
      %dma_start3A_340 = arith.constant 0 : i32
      %dma_start3A_341 = tpu.memref_slice %arg6[%dma_start3A_339, %dma_start3A_340] : memref<400x64xf32, #tpu.memory_space<vmem>> -> memref<50x64xf32, #tpu.memory_space<vmem>>
      tpu.enqueue_dma source(%dma_start3A_341 : memref<50x64xf32, #tpu.memory_space<vmem>>) target(%dma_start3A_338 : memref<50x64xf32, #tpu.memory_space<hbm>>) target_semaphore(%arg10 : memref<!tpu.dma_semaphore, #tpu.memory_space<semaphore_mem>>)
      %mul3A_342 = arith.constant 8 : i32
      %mul3A_343 = arith.muli %mul3A_208, %mul3A_342 : i32
      %add3A_344 = arith.addi %mul3A_2, %mul3A_343 : i32
      %add3A_345 = arith.constant 7 : i32
      %add3A_346 = arith.addi %add3A_344, %add3A_345 : i32
      %dma_start3A_347 = arith.constant 350 : i32
      %dma_start3A_348 = arith.constant 0 : i32
      %dma_start3A_349 = tpu.memref_slice %arg6[%dma_start3A_347, %dma_start3A_348] : memref<400x64xf32, #tpu.memory_space<vmem>> -> memref<50x64xf32, #tpu.memory_space<vmem>>
      %dma_start3A_350 = arith.constant 0 : i32
      %dma_start3A_351 = arith.constant 0 : i32
      %dma_start3A_352 = tpu.memref_slice %arg4[%add3A_346, %dma_start3A_350, %dma_start3A_351] : memref<16384x56x128xf32, #tpu.memory_space<hbm>> -> memref<1x50x64xf32, #tpu.memory_space<hbm>>
      %dma_start3A_353 = tpu.memref_squeeze %dma_start3A_352 : memref<1x50x64xf32, #tpu.memory_space<hbm>> -> memref<50x64xf32, #tpu.memory_space<hbm>>
      %dma_start3A_354 = arith.constant 0 : i32
      %dma_start3A_355 = arith.constant 0 : i32
      %dma_start3A_356 = tpu.memref_slice %arg4[%add3A_346, %dma_start3A_354, %dma_start3A_355] : memref<16384x56x128xf32, #tpu.memory_space<hbm>> -> memref<1x50x64xf32, #tpu.memory_space<hbm>>
      %dma_start3A_357 = tpu.memref_squeeze %dma_start3A_356 : memref<1x50x64xf32, #tpu.memory_space<hbm>> -> memref<50x64xf32, #tpu.memory_space<hbm>>
      %dma_start3A_358 = arith.constant 350 : i32
      %dma_start3A_359 = arith.constant 0 : i32
      %dma_start3A_360 = tpu.memref_slice %arg6[%dma_start3A_358, %dma_start3A_359] : memref<400x64xf32, #tpu.memory_space<vmem>> -> memref<50x64xf32, #tpu.memory_space<vmem>>
      tpu.enqueue_dma source(%dma_start3A_360 : memref<50x64xf32, #tpu.memory_space<vmem>>) target(%dma_start3A_357 : memref<50x64xf32, #tpu.memory_space<hbm>>) target_semaphore(%arg10 : memref<!tpu.dma_semaphore, #tpu.memory_space<semaphore_mem>>)
      %gt3A = arith.constant 0 : i32
      %gt3A_361 = arith.cmpi sgt, %scan3A_166, %gt3A : i32
      %convert_element_type3A = arith.extui %gt3A_361 : i1 to i32
      %cond3A = arith.constant 0 : i32
      %cond3A_362 = arith.cmpi ne, %convert_element_type3A, %cond3A : i32
      scf.if %cond3A_362 {
        %dma_wait3A_739 = arith.constant 0 : i32
        %dma_wait3A_740 = arith.constant 0 : i32
        %dma_wait3A_741 = arith.constant 0 : i32
        %dma_wait3A_742 = tpu.memref_slice %arg7[%dma_wait3A_740, %dma_wait3A_741] : memref<400x64xf32, #tpu.memory_space<vmem>> -> memref<50x64xf32, #tpu.memory_space<vmem>>
        %dma_wait3A_743 = arith.constant 0 : i32
        %dma_wait3A_744 = arith.constant 0 : i32
        %dma_wait3A_745 = tpu.memref_slice %arg4[%dma_wait3A_739, %dma_wait3A_743, %dma_wait3A_744] : memref<16384x56x128xf32, #tpu.memory_space<hbm>> -> memref<1x50x64xf32, #tpu.memory_space<hbm>>
        %dma_wait3A_746 = tpu.memref_squeeze %dma_wait3A_745 : memref<1x50x64xf32, #tpu.memory_space<hbm>> -> memref<50x64xf32, #tpu.memory_space<hbm>>
        %dma_wait3A_747 = arith.constant 0 : i32
        %dma_wait3A_748 = arith.constant 0 : i32
        %dma_wait3A_749 = tpu.memref_slice %arg4[%dma_wait3A_739, %dma_wait3A_747, %dma_wait3A_748] : memref<16384x56x128xf32, #tpu.memory_space<hbm>> -> memref<1x50x64xf32, #tpu.memory_space<hbm>>
        %dma_wait3A_750 = tpu.memref_squeeze %dma_wait3A_749 : memref<1x50x64xf32, #tpu.memory_space<hbm>> -> memref<50x64xf32, #tpu.memory_space<hbm>>
        %dma_wait3A_751 = arith.constant 0 : i32
        %dma_wait3A_752 = arith.constant 0 : i32
        %dma_wait3A_753 = tpu.memref_slice %arg7[%dma_wait3A_751, %dma_wait3A_752] : memref<400x64xf32, #tpu.memory_space<vmem>> -> memref<50x64xf32, #tpu.memory_space<vmem>>
        tpu.wait_dma2 semaphore(%arg11 : memref<!tpu.dma_semaphore, #tpu.memory_space<semaphore_mem>>) src(%dma_wait3A_753 : memref<50x64xf32, #tpu.memory_space<vmem>>) dst(%dma_wait3A_750 : memref<50x64xf32, #tpu.memory_space<hbm>>)
        %dma_wait3A_754 = arith.constant 0 : i32
        %dma_wait3A_755 = arith.constant 50 : i32
        %dma_wait3A_756 = arith.constant 0 : i32
        %dma_wait3A_757 = tpu.memref_slice %arg7[%dma_wait3A_755, %dma_wait3A_756] : memref<400x64xf32, #tpu.memory_space<vmem>> -> memref<50x64xf32, #tpu.memory_space<vmem>>
        %dma_wait3A_758 = arith.constant 0 : i32
        %dma_wait3A_759 = arith.constant 0 : i32
        %dma_wait3A_760 = tpu.memref_slice %arg4[%dma_wait3A_754, %dma_wait3A_758, %dma_wait3A_759] : memref<16384x56x128xf32, #tpu.memory_space<hbm>> -> memref<1x50x64xf32, #tpu.memory_space<hbm>>
        %dma_wait3A_761 = tpu.memref_squeeze %dma_wait3A_760 : memref<1x50x64xf32, #tpu.memory_space<hbm>> -> memref<50x64xf32, #tpu.memory_space<hbm>>
        %dma_wait3A_762 = arith.constant 0 : i32
        %dma_wait3A_763 = arith.constant 0 : i32
        %dma_wait3A_764 = tpu.memref_slice %arg4[%dma_wait3A_754, %dma_wait3A_762, %dma_wait3A_763] : memref<16384x56x128xf32, #tpu.memory_space<hbm>> -> memref<1x50x64xf32, #tpu.memory_space<hbm>>
        %dma_wait3A_765 = tpu.memref_squeeze %dma_wait3A_764 : memref<1x50x64xf32, #tpu.memory_space<hbm>> -> memref<50x64xf32, #tpu.memory_space<hbm>>
        %dma_wait3A_766 = arith.constant 50 : i32
        %dma_wait3A_767 = arith.constant 0 : i32
        %dma_wait3A_768 = tpu.memref_slice %arg7[%dma_wait3A_766, %dma_wait3A_767] : memref<400x64xf32, #tpu.memory_space<vmem>> -> memref<50x64xf32, #tpu.memory_space<vmem>>
        tpu.wait_dma2 semaphore(%arg11 : memref<!tpu.dma_semaphore, #tpu.memory_space<semaphore_mem>>) src(%dma_wait3A_768 : memref<50x64xf32, #tpu.memory_space<vmem>>) dst(%dma_wait3A_765 : memref<50x64xf32, #tpu.memory_space<hbm>>)
        %dma_wait3A_769 = arith.constant 0 : i32
        %dma_wait3A_770 = arith.constant 100 : i32
        %dma_wait3A_771 = arith.constant 0 : i32
        %dma_wait3A_772 = tpu.memref_slice %arg7[%dma_wait3A_770, %dma_wait3A_771] : memref<400x64xf32, #tpu.memory_space<vmem>> -> memref<50x64xf32, #tpu.memory_space<vmem>>
        %dma_wait3A_773 = arith.constant 0 : i32
        %dma_wait3A_774 = arith.constant 0 : i32
        %dma_wait3A_775 = tpu.memref_slice %arg4[%dma_wait3A_769, %dma_wait3A_773, %dma_wait3A_774] : memref<16384x56x128xf32, #tpu.memory_space<hbm>> -> memref<1x50x64xf32, #tpu.memory_space<hbm>>
        %dma_wait3A_776 = tpu.memref_squeeze %dma_wait3A_775 : memref<1x50x64xf32, #tpu.memory_space<hbm>> -> memref<50x64xf32, #tpu.memory_space<hbm>>
        %dma_wait3A_777 = arith.constant 0 : i32
        %dma_wait3A_778 = arith.constant 0 : i32
        %dma_wait3A_779 = tpu.memref_slice %arg4[%dma_wait3A_769, %dma_wait3A_777, %dma_wait3A_778] : memref<16384x56x128xf32, #tpu.memory_space<hbm>> -> memref<1x50x64xf32, #tpu.memory_space<hbm>>
        %dma_wait3A_780 = tpu.memref_squeeze %dma_wait3A_779 : memref<1x50x64xf32, #tpu.memory_space<hbm>> -> memref<50x64xf32, #tpu.memory_space<hbm>>
        %dma_wait3A_781 = arith.constant 100 : i32
        %dma_wait3A_782 = arith.constant 0 : i32
        %dma_wait3A_783 = tpu.memref_slice %arg7[%dma_wait3A_781, %dma_wait3A_782] : memref<400x64xf32, #tpu.memory_space<vmem>> -> memref<50x64xf32, #tpu.memory_space<vmem>>
        tpu.wait_dma2 semaphore(%arg11 : memref<!tpu.dma_semaphore, #tpu.memory_space<semaphore_mem>>) src(%dma_wait3A_783 : memref<50x64xf32, #tpu.memory_space<vmem>>) dst(%dma_wait3A_780 : memref<50x64xf32, #tpu.memory_space<hbm>>)
        %dma_wait3A_784 = arith.constant 0 : i32
        %dma_wait3A_785 = arith.constant 150 : i32
        %dma_wait3A_786 = arith.constant 0 : i32
        %dma_wait3A_787 = tpu.memref_slice %arg7[%dma_wait3A_785, %dma_wait3A_786] : memref<400x64xf32, #tpu.memory_space<vmem>> -> memref<50x64xf32, #tpu.memory_space<vmem>>
        %dma_wait3A_788 = arith.constant 0 : i32
        %dma_wait3A_789 = arith.constant 0 : i32
        %dma_wait3A_790 = tpu.memref_slice %arg4[%dma_wait3A_784, %dma_wait3A_788, %dma_wait3A_789] : memref<16384x56x128xf32, #tpu.memory_space<hbm>> -> memref<1x50x64xf32, #tpu.memory_space<hbm>>
        %dma_wait3A_791 = tpu.memref_squeeze %dma_wait3A_790 : memref<1x50x64xf32, #tpu.memory_space<hbm>> -> memref<50x64xf32, #tpu.memory_space<hbm>>
        %dma_wait3A_792 = arith.constant 0 : i32
        %dma_wait3A_793 = arith.constant 0 : i32
        %dma_wait3A_794 = tpu.memref_slice %arg4[%dma_wait3A_784, %dma_wait3A_792, %dma_wait3A_793] : memref<16384x56x128xf32, #tpu.memory_space<hbm>> -> memref<1x50x64xf32, #tpu.memory_space<hbm>>
        %dma_wait3A_795 = tpu.memref_squeeze %dma_wait3A_794 : memref<1x50x64xf32, #tpu.memory_space<hbm>> -> memref<50x64xf32, #tpu.memory_space<hbm>>
        %dma_wait3A_796 = arith.constant 150 : i32
        %dma_wait3A_797 = arith.constant 0 : i32
        %dma_wait3A_798 = tpu.memref_slice %arg7[%dma_wait3A_796, %dma_wait3A_797] : memref<400x64xf32, #tpu.memory_space<vmem>> -> memref<50x64xf32, #tpu.memory_space<vmem>>
        tpu.wait_dma2 semaphore(%arg11 : memref<!tpu.dma_semaphore, #tpu.memory_space<semaphore_mem>>) src(%dma_wait3A_798 : memref<50x64xf32, #tpu.memory_space<vmem>>) dst(%dma_wait3A_795 : memref<50x64xf32, #tpu.memory_space<hbm>>)
        %dma_wait3A_799 = arith.constant 0 : i32
        %dma_wait3A_800 = arith.constant 200 : i32
        %dma_wait3A_801 = arith.constant 0 : i32
        %dma_wait3A_802 = tpu.memref_slice %arg7[%dma_wait3A_800, %dma_wait3A_801] : memref<400x64xf32, #tpu.memory_space<vmem>> -> memref<50x64xf32, #tpu.memory_space<vmem>>
        %dma_wait3A_803 = arith.constant 0 : i32
        %dma_wait3A_804 = arith.constant 0 : i32
        %dma_wait3A_805 = tpu.memref_slice %arg4[%dma_wait3A_799, %dma_wait3A_803, %dma_wait3A_804] : memref<16384x56x128xf32, #tpu.memory_space<hbm>> -> memref<1x50x64xf32, #tpu.memory_space<hbm>>
        %dma_wait3A_806 = tpu.memref_squeeze %dma_wait3A_805 : memref<1x50x64xf32, #tpu.memory_space<hbm>> -> memref<50x64xf32, #tpu.memory_space<hbm>>
        %dma_wait3A_807 = arith.constant 0 : i32
        %dma_wait3A_808 = arith.constant 0 : i32
        %dma_wait3A_809 = tpu.memref_slice %arg4[%dma_wait3A_799, %dma_wait3A_807, %dma_wait3A_808] : memref<16384x56x128xf32, #tpu.memory_space<hbm>> -> memref<1x50x64xf32, #tpu.memory_space<hbm>>
        %dma_wait3A_810 = tpu.memref_squeeze %dma_wait3A_809 : memref<1x50x64xf32, #tpu.memory_space<hbm>> -> memref<50x64xf32, #tpu.memory_space<hbm>>
        %dma_wait3A_811 = arith.constant 200 : i32
        %dma_wait3A_812 = arith.constant 0 : i32
        %dma_wait3A_813 = tpu.memref_slice %arg7[%dma_wait3A_811, %dma_wait3A_812] : memref<400x64xf32, #tpu.memory_space<vmem>> -> memref<50x64xf32, #tpu.memory_space<vmem>>
        tpu.wait_dma2 semaphore(%arg11 : memref<!tpu.dma_semaphore, #tpu.memory_space<semaphore_mem>>) src(%dma_wait3A_813 : memref<50x64xf32, #tpu.memory_space<vmem>>) dst(%dma_wait3A_810 : memref<50x64xf32, #tpu.memory_space<hbm>>)
        %dma_wait3A_814 = arith.constant 0 : i32
        %dma_wait3A_815 = arith.constant 250 : i32
        %dma_wait3A_816 = arith.constant 0 : i32
        %dma_wait3A_817 = tpu.memref_slice %arg7[%dma_wait3A_815, %dma_wait3A_816] : memref<400x64xf32, #tpu.memory_space<vmem>> -> memref<50x64xf32, #tpu.memory_space<vmem>>
        %dma_wait3A_818 = arith.constant 0 : i32
        %dma_wait3A_819 = arith.constant 0 : i32
        %dma_wait3A_820 = tpu.memref_slice %arg4[%dma_wait3A_814, %dma_wait3A_818, %dma_wait3A_819] : memref<16384x56x128xf32, #tpu.memory_space<hbm>> -> memref<1x50x64xf32, #tpu.memory_space<hbm>>
        %dma_wait3A_821 = tpu.memref_squeeze %dma_wait3A_820 : memref<1x50x64xf32, #tpu.memory_space<hbm>> -> memref<50x64xf32, #tpu.memory_space<hbm>>
        %dma_wait3A_822 = arith.constant 0 : i32
        %dma_wait3A_823 = arith.constant 0 : i32
        %dma_wait3A_824 = tpu.memref_slice %arg4[%dma_wait3A_814, %dma_wait3A_822, %dma_wait3A_823] : memref<16384x56x128xf32, #tpu.memory_space<hbm>> -> memref<1x50x64xf32, #tpu.memory_space<hbm>>
        %dma_wait3A_825 = tpu.memref_squeeze %dma_wait3A_824 : memref<1x50x64xf32, #tpu.memory_space<hbm>> -> memref<50x64xf32, #tpu.memory_space<hbm>>
        %dma_wait3A_826 = arith.constant 250 : i32
        %dma_wait3A_827 = arith.constant 0 : i32
        %dma_wait3A_828 = tpu.memref_slice %arg7[%dma_wait3A_826, %dma_wait3A_827] : memref<400x64xf32, #tpu.memory_space<vmem>> -> memref<50x64xf32, #tpu.memory_space<vmem>>
        tpu.wait_dma2 semaphore(%arg11 : memref<!tpu.dma_semaphore, #tpu.memory_space<semaphore_mem>>) src(%dma_wait3A_828 : memref<50x64xf32, #tpu.memory_space<vmem>>) dst(%dma_wait3A_825 : memref<50x64xf32, #tpu.memory_space<hbm>>)
        %dma_wait3A_829 = arith.constant 0 : i32
        %dma_wait3A_830 = arith.constant 300 : i32
        %dma_wait3A_831 = arith.constant 0 : i32
        %dma_wait3A_832 = tpu.memref_slice %arg7[%dma_wait3A_830, %dma_wait3A_831] : memref<400x64xf32, #tpu.memory_space<vmem>> -> memref<50x64xf32, #tpu.memory_space<vmem>>
        %dma_wait3A_833 = arith.constant 0 : i32
        %dma_wait3A_834 = arith.constant 0 : i32
        %dma_wait3A_835 = tpu.memref_slice %arg4[%dma_wait3A_829, %dma_wait3A_833, %dma_wait3A_834] : memref<16384x56x128xf32, #tpu.memory_space<hbm>> -> memref<1x50x64xf32, #tpu.memory_space<hbm>>
        %dma_wait3A_836 = tpu.memref_squeeze %dma_wait3A_835 : memref<1x50x64xf32, #tpu.memory_space<hbm>> -> memref<50x64xf32, #tpu.memory_space<hbm>>
        %dma_wait3A_837 = arith.constant 0 : i32
        %dma_wait3A_838 = arith.constant 0 : i32
        %dma_wait3A_839 = tpu.memref_slice %arg4[%dma_wait3A_829, %dma_wait3A_837, %dma_wait3A_838] : memref<16384x56x128xf32, #tpu.memory_space<hbm>> -> memref<1x50x64xf32, #tpu.memory_space<hbm>>
        %dma_wait3A_840 = tpu.memref_squeeze %dma_wait3A_839 : memref<1x50x64xf32, #tpu.memory_space<hbm>> -> memref<50x64xf32, #tpu.memory_space<hbm>>
        %dma_wait3A_841 = arith.constant 300 : i32
        %dma_wait3A_842 = arith.constant 0 : i32
        %dma_wait3A_843 = tpu.memref_slice %arg7[%dma_wait3A_841, %dma_wait3A_842] : memref<400x64xf32, #tpu.memory_space<vmem>> -> memref<50x64xf32, #tpu.memory_space<vmem>>
        tpu.wait_dma2 semaphore(%arg11 : memref<!tpu.dma_semaphore, #tpu.memory_space<semaphore_mem>>) src(%dma_wait3A_843 : memref<50x64xf32, #tpu.memory_space<vmem>>) dst(%dma_wait3A_840 : memref<50x64xf32, #tpu.memory_space<hbm>>)
        %dma_wait3A_844 = arith.constant 0 : i32
        %dma_wait3A_845 = arith.constant 350 : i32
        %dma_wait3A_846 = arith.constant 0 : i32
        %dma_wait3A_847 = tpu.memref_slice %arg7[%dma_wait3A_845, %dma_wait3A_846] : memref<400x64xf32, #tpu.memory_space<vmem>> -> memref<50x64xf32, #tpu.memory_space<vmem>>
        %dma_wait3A_848 = arith.constant 0 : i32
        %dma_wait3A_849 = arith.constant 0 : i32
        %dma_wait3A_850 = tpu.memref_slice %arg4[%dma_wait3A_844, %dma_wait3A_848, %dma_wait3A_849] : memref<16384x56x128xf32, #tpu.memory_space<hbm>> -> memref<1x50x64xf32, #tpu.memory_space<hbm>>
        %dma_wait3A_851 = tpu.memref_squeeze %dma_wait3A_850 : memref<1x50x64xf32, #tpu.memory_space<hbm>> -> memref<50x64xf32, #tpu.memory_space<hbm>>
        %dma_wait3A_852 = arith.constant 0 : i32
        %dma_wait3A_853 = arith.constant 0 : i32
        %dma_wait3A_854 = tpu.memref_slice %arg4[%dma_wait3A_844, %dma_wait3A_852, %dma_wait3A_853] : memref<16384x56x128xf32, #tpu.memory_space<hbm>> -> memref<1x50x64xf32, #tpu.memory_space<hbm>>
        %dma_wait3A_855 = tpu.memref_squeeze %dma_wait3A_854 : memref<1x50x64xf32, #tpu.memory_space<hbm>> -> memref<50x64xf32, #tpu.memory_space<hbm>>
        %dma_wait3A_856 = arith.constant 350 : i32
        %dma_wait3A_857 = arith.constant 0 : i32
        %dma_wait3A_858 = tpu.memref_slice %arg7[%dma_wait3A_856, %dma_wait3A_857] : memref<400x64xf32, #tpu.memory_space<vmem>> -> memref<50x64xf32, #tpu.memory_space<vmem>>
        tpu.wait_dma2 semaphore(%arg11 : memref<!tpu.dma_semaphore, #tpu.memory_space<semaphore_mem>>) src(%dma_wait3A_858 : memref<50x64xf32, #tpu.memory_space<vmem>>) dst(%dma_wait3A_855 : memref<50x64xf32, #tpu.memory_space<hbm>>)
      } else {
      }
      %mul3A_363 = arith.constant 2 : i32
      %mul3A_364 = arith.muli %mul3A_363, %scan3A_166 : i32
      %add3A_365 = arith.constant 1 : i32
      %add3A_366 = arith.addi %mul3A_364, %add3A_365 : i32
      %mul3A_367 = arith.constant 4 : i32
      %mul3A_368 = arith.muli %add3A_366, %mul3A_367 : i32
      %add3A_369 = arith.constant 0 : i32
      %add3A_370 = arith.addi %mul3A_368, %add3A_369 : i32
      %dma_start3A_371 = arith.constant 0 : i32
      %dma_start3A_372 = arith.constant 0 : i32
      %dma_start3A_373 = tpu.memref_slice %arg7[%dma_start3A_371, %dma_start3A_372] : memref<400x64xf32, #tpu.memory_space<vmem>> -> memref<100x64xf32, #tpu.memory_space<vmem>>
      %dma_start3A_374 = arith.constant 0 : i32
      %dma_start3A_375 = tpu.memref_slice %arg5[%add3A_370, %dma_start3A_374] : memref<256x100xi32, #tpu.memory_space<vmem>> -> memref<1x100xi32, #tpu.memory_space<vmem>>
      %dma_start3A_376 = tpu.memref_squeeze %dma_start3A_375 : memref<1x100xi32, #tpu.memory_space<vmem>> -> memref<100xi32, #tpu.memory_space<vmem>>
      %dma_start3A_377 = arith.constant 0 : i32
      %dma_start3A_378 = arith.constant 0 : i32
      %dma_start3A_379 = tpu.memref_slice %arg3[%dma_start3A_377, %dma_start3A_378] : memref<1000000x64xf32, #tpu.memory_space<hbm>> -> memref<1000000x64xf32, #tpu.memory_space<hbm>>
      tpu.enqueue_indirect_dma source(%dma_start3A_379 : memref<1000000x64xf32, #tpu.memory_space<hbm>>) target(%dma_start3A_373 : memref<100x64xf32, #tpu.memory_space<vmem>>) offsets(%dma_start3A_376 : memref<100xi32, #tpu.memory_space<vmem>>) semaphore(%arg9 : memref<!tpu.dma_semaphore, #tpu.memory_space<semaphore_mem>>)
      %mul3A_380 = arith.constant 4 : i32
      %mul3A_381 = arith.muli %add3A_366, %mul3A_380 : i32
      %add3A_382 = arith.constant 1 : i32
      %add3A_383 = arith.addi %mul3A_381, %add3A_382 : i32
      %dma_start3A_384 = arith.constant 100 : i32
      %dma_start3A_385 = arith.constant 0 : i32
      %dma_start3A_386 = tpu.memref_slice %arg7[%dma_start3A_384, %dma_start3A_385] : memref<400x64xf32, #tpu.memory_space<vmem>> -> memref<100x64xf32, #tpu.memory_space<vmem>>
      %dma_start3A_387 = arith.constant 0 : i32
      %dma_start3A_388 = tpu.memref_slice %arg5[%add3A_383, %dma_start3A_387] : memref<256x100xi32, #tpu.memory_space<vmem>> -> memref<1x100xi32, #tpu.memory_space<vmem>>
      %dma_start3A_389 = tpu.memref_squeeze %dma_start3A_388 : memref<1x100xi32, #tpu.memory_space<vmem>> -> memref<100xi32, #tpu.memory_space<vmem>>
      %dma_start3A_390 = arith.constant 0 : i32
      %dma_start3A_391 = arith.constant 0 : i32
      %dma_start3A_392 = tpu.memref_slice %arg3[%dma_start3A_390, %dma_start3A_391] : memref<1000000x64xf32, #tpu.memory_space<hbm>> -> memref<1000000x64xf32, #tpu.memory_space<hbm>>
      tpu.enqueue_indirect_dma source(%dma_start3A_392 : memref<1000000x64xf32, #tpu.memory_space<hbm>>) target(%dma_start3A_386 : memref<100x64xf32, #tpu.memory_space<vmem>>) offsets(%dma_start3A_389 : memref<100xi32, #tpu.memory_space<vmem>>) semaphore(%arg9 : memref<!tpu.dma_semaphore, #tpu.memory_space<semaphore_mem>>)
      %mul3A_393 = arith.constant 4 : i32
      %mul3A_394 = arith.muli %add3A_366, %mul3A_393 : i32
      %add3A_395 = arith.constant 2 : i32
      %add3A_396 = arith.addi %mul3A_394, %add3A_395 : i32
      %dma_start3A_397 = arith.constant 200 : i32
      %dma_start3A_398 = arith.constant 0 : i32
      %dma_start3A_399 = tpu.memref_slice %arg7[%dma_start3A_397, %dma_start3A_398] : memref<400x64xf32, #tpu.memory_space<vmem>> -> memref<100x64xf32, #tpu.memory_space<vmem>>
      %dma_start3A_400 = arith.constant 0 : i32
      %dma_start3A_401 = tpu.memref_slice %arg5[%add3A_396, %dma_start3A_400] : memref<256x100xi32, #tpu.memory_space<vmem>> -> memref<1x100xi32, #tpu.memory_space<vmem>>
      %dma_start3A_402 = tpu.memref_squeeze %dma_start3A_401 : memref<1x100xi32, #tpu.memory_space<vmem>> -> memref<100xi32, #tpu.memory_space<vmem>>
      %dma_start3A_403 = arith.constant 0 : i32
      %dma_start3A_404 = arith.constant 0 : i32
      %dma_start3A_405 = tpu.memref_slice %arg3[%dma_start3A_403, %dma_start3A_404] : memref<1000000x64xf32, #tpu.memory_space<hbm>> -> memref<1000000x64xf32, #tpu.memory_space<hbm>>
      tpu.enqueue_indirect_dma source(%dma_start3A_405 : memref<1000000x64xf32, #tpu.memory_space<hbm>>) target(%dma_start3A_399 : memref<100x64xf32, #tpu.memory_space<vmem>>) offsets(%dma_start3A_402 : memref<100xi32, #tpu.memory_space<vmem>>) semaphore(%arg9 : memref<!tpu.dma_semaphore, #tpu.memory_space<semaphore_mem>>)
      %mul3A_406 = arith.constant 4 : i32
      %mul3A_407 = arith.muli %add3A_366, %mul3A_406 : i32
      %add3A_408 = arith.constant 3 : i32
      %add3A_409 = arith.addi %mul3A_407, %add3A_408 : i32
      %dma_start3A_410 = arith.constant 300 : i32
      %dma_start3A_411 = arith.constant 0 : i32
      %dma_start3A_412 = tpu.memref_slice %arg7[%dma_start3A_410, %dma_start3A_411] : memref<400x64xf32, #tpu.memory_space<vmem>> -> memref<100x64xf32, #tpu.memory_space<vmem>>
      %dma_start3A_413 = arith.constant 0 : i32
      %dma_start3A_414 = tpu.memref_slice %arg5[%add3A_409, %dma_start3A_413] : memref<256x100xi32, #tpu.memory_space<vmem>> -> memref<1x100xi32, #tpu.memory_space<vmem>>
      %dma_start3A_415 = tpu.memref_squeeze %dma_start3A_414 : memref<1x100xi32, #tpu.memory_space<vmem>> -> memref<100xi32, #tpu.memory_space<vmem>>
      %dma_start3A_416 = arith.constant 0 : i32
      %dma_start3A_417 = arith.constant 0 : i32
      %dma_start3A_418 = tpu.memref_slice %arg3[%dma_start3A_416, %dma_start3A_417] : memref<1000000x64xf32, #tpu.memory_space<hbm>> -> memref<1000000x64xf32, #tpu.memory_space<hbm>>
      tpu.enqueue_indirect_dma source(%dma_start3A_418 : memref<1000000x64xf32, #tpu.memory_space<hbm>>) target(%dma_start3A_412 : memref<100x64xf32, #tpu.memory_space<vmem>>) offsets(%dma_start3A_415 : memref<100xi32, #tpu.memory_space<vmem>>) semaphore(%arg9 : memref<!tpu.dma_semaphore, #tpu.memory_space<semaphore_mem>>)
      %dma_wait3A_419 = arith.constant 0 : i32
      %dma_wait3A_420 = arith.constant 0 : i32
      %dma_wait3A_421 = arith.constant 0 : i32
      %dma_wait3A_422 = tpu.memref_slice %arg6[%dma_wait3A_420, %dma_wait3A_421] : memref<400x64xf32, #tpu.memory_space<vmem>> -> memref<50x64xf32, #tpu.memory_space<vmem>>
      %dma_wait3A_423 = arith.constant 0 : i32
      %dma_wait3A_424 = arith.constant 0 : i32
      %dma_wait3A_425 = tpu.memref_slice %arg4[%dma_wait3A_419, %dma_wait3A_423, %dma_wait3A_424] : memref<16384x56x128xf32, #tpu.memory_space<hbm>> -> memref<1x50x64xf32, #tpu.memory_space<hbm>>
      %dma_wait3A_426 = tpu.memref_squeeze %dma_wait3A_425 : memref<1x50x64xf32, #tpu.memory_space<hbm>> -> memref<50x64xf32, #tpu.memory_space<hbm>>
      %dma_wait3A_427 = arith.constant 0 : i32
      %dma_wait3A_428 = arith.constant 0 : i32
      %dma_wait3A_429 = tpu.memref_slice %arg4[%dma_wait3A_419, %dma_wait3A_427, %dma_wait3A_428] : memref<16384x56x128xf32, #tpu.memory_space<hbm>> -> memref<1x50x64xf32, #tpu.memory_space<hbm>>
      %dma_wait3A_430 = tpu.memref_squeeze %dma_wait3A_429 : memref<1x50x64xf32, #tpu.memory_space<hbm>> -> memref<50x64xf32, #tpu.memory_space<hbm>>
      %dma_wait3A_431 = arith.constant 0 : i32
      %dma_wait3A_432 = arith.constant 0 : i32
      %dma_wait3A_433 = tpu.memref_slice %arg6[%dma_wait3A_431, %dma_wait3A_432] : memref<400x64xf32, #tpu.memory_space<vmem>> -> memref<50x64xf32, #tpu.memory_space<vmem>>
      tpu.wait_dma2 semaphore(%arg10 : memref<!tpu.dma_semaphore, #tpu.memory_space<semaphore_mem>>) src(%dma_wait3A_433 : memref<50x64xf32, #tpu.memory_space<vmem>>) dst(%dma_wait3A_430 : memref<50x64xf32, #tpu.memory_space<hbm>>)
      %dma_wait3A_434 = arith.constant 0 : i32
      %dma_wait3A_435 = arith.constant 50 : i32
      %dma_wait3A_436 = arith.constant 0 : i32
      %dma_wait3A_437 = tpu.memref_slice %arg6[%dma_wait3A_435, %dma_wait3A_436] : memref<400x64xf32, #tpu.memory_space<vmem>> -> memref<50x64xf32, #tpu.memory_space<vmem>>
      %dma_wait3A_438 = arith.constant 0 : i32
      %dma_wait3A_439 = arith.constant 0 : i32
      %dma_wait3A_440 = tpu.memref_slice %arg4[%dma_wait3A_434, %dma_wait3A_438, %dma_wait3A_439] : memref<16384x56x128xf32, #tpu.memory_space<hbm>> -> memref<1x50x64xf32, #tpu.memory_space<hbm>>
      %dma_wait3A_441 = tpu.memref_squeeze %dma_wait3A_440 : memref<1x50x64xf32, #tpu.memory_space<hbm>> -> memref<50x64xf32, #tpu.memory_space<hbm>>
      %dma_wait3A_442 = arith.constant 0 : i32
      %dma_wait3A_443 = arith.constant 0 : i32
      %dma_wait3A_444 = tpu.memref_slice %arg4[%dma_wait3A_434, %dma_wait3A_442, %dma_wait3A_443] : memref<16384x56x128xf32, #tpu.memory_space<hbm>> -> memref<1x50x64xf32, #tpu.memory_space<hbm>>
      %dma_wait3A_445 = tpu.memref_squeeze %dma_wait3A_444 : memref<1x50x64xf32, #tpu.memory_space<hbm>> -> memref<50x64xf32, #tpu.memory_space<hbm>>
      %dma_wait3A_446 = arith.constant 50 : i32
      %dma_wait3A_447 = arith.constant 0 : i32
      %dma_wait3A_448 = tpu.memref_slice %arg6[%dma_wait3A_446, %dma_wait3A_447] : memref<400x64xf32, #tpu.memory_space<vmem>> -> memref<50x64xf32, #tpu.memory_space<vmem>>
      tpu.wait_dma2 semaphore(%arg10 : memref<!tpu.dma_semaphore, #tpu.memory_space<semaphore_mem>>) src(%dma_wait3A_448 : memref<50x64xf32, #tpu.memory_space<vmem>>) dst(%dma_wait3A_445 : memref<50x64xf32, #tpu.memory_space<hbm>>)
      %dma_wait3A_449 = arith.constant 0 : i32
      %dma_wait3A_450 = arith.constant 100 : i32
      %dma_wait3A_451 = arith.constant 0 : i32
      %dma_wait3A_452 = tpu.memref_slice %arg6[%dma_wait3A_450, %dma_wait3A_451] : memref<400x64xf32, #tpu.memory_space<vmem>> -> memref<50x64xf32, #tpu.memory_space<vmem>>
      %dma_wait3A_453 = arith.constant 0 : i32
      %dma_wait3A_454 = arith.constant 0 : i32
      %dma_wait3A_455 = tpu.memref_slice %arg4[%dma_wait3A_449, %dma_wait3A_453, %dma_wait3A_454] : memref<16384x56x128xf32, #tpu.memory_space<hbm>> -> memref<1x50x64xf32, #tpu.memory_space<hbm>>
      %dma_wait3A_456 = tpu.memref_squeeze %dma_wait3A_455 : memref<1x50x64xf32, #tpu.memory_space<hbm>> -> memref<50x64xf32, #tpu.memory_space<hbm>>
      %dma_wait3A_457 = arith.constant 0 : i32
      %dma_wait3A_458 = arith.constant 0 : i32
      %dma_wait3A_459 = tpu.memref_slice %arg4[%dma_wait3A_449, %dma_wait3A_457, %dma_wait3A_458] : memref<16384x56x128xf32, #tpu.memory_space<hbm>> -> memref<1x50x64xf32, #tpu.memory_space<hbm>>
      %dma_wait3A_460 = tpu.memref_squeeze %dma_wait3A_459 : memref<1x50x64xf32, #tpu.memory_space<hbm>> -> memref<50x64xf32, #tpu.memory_space<hbm>>
      %dma_wait3A_461 = arith.constant 100 : i32
      %dma_wait3A_462 = arith.constant 0 : i32
      %dma_wait3A_463 = tpu.memref_slice %arg6[%dma_wait3A_461, %dma_wait3A_462] : memref<400x64xf32, #tpu.memory_space<vmem>> -> memref<50x64xf32, #tpu.memory_space<vmem>>
      tpu.wait_dma2 semaphore(%arg10 : memref<!tpu.dma_semaphore, #tpu.memory_space<semaphore_mem>>) src(%dma_wait3A_463 : memref<50x64xf32, #tpu.memory_space<vmem>>) dst(%dma_wait3A_460 : memref<50x64xf32, #tpu.memory_space<hbm>>)
      %dma_wait3A_464 = arith.constant 0 : i32
      %dma_wait3A_465 = arith.constant 150 : i32
      %dma_wait3A_466 = arith.constant 0 : i32
      %dma_wait3A_467 = tpu.memref_slice %arg6[%dma_wait3A_465, %dma_wait3A_466] : memref<400x64xf32, #tpu.memory_space<vmem>> -> memref<50x64xf32, #tpu.memory_space<vmem>>
      %dma_wait3A_468 = arith.constant 0 : i32
      %dma_wait3A_469 = arith.constant 0 : i32
      %dma_wait3A_470 = tpu.memref_slice %arg4[%dma_wait3A_464, %dma_wait3A_468, %dma_wait3A_469] : memref<16384x56x128xf32, #tpu.memory_space<hbm>> -> memref<1x50x64xf32, #tpu.memory_space<hbm>>
      %dma_wait3A_471 = tpu.memref_squeeze %dma_wait3A_470 : memref<1x50x64xf32, #tpu.memory_space<hbm>> -> memref<50x64xf32, #tpu.memory_space<hbm>>
      %dma_wait3A_472 = arith.constant 0 : i32
      %dma_wait3A_473 = arith.constant 0 : i32
      %dma_wait3A_474 = tpu.memref_slice %arg4[%dma_wait3A_464, %dma_wait3A_472, %dma_wait3A_473] : memref<16384x56x128xf32, #tpu.memory_space<hbm>> -> memref<1x50x64xf32, #tpu.memory_space<hbm>>
      %dma_wait3A_475 = tpu.memref_squeeze %dma_wait3A_474 : memref<1x50x64xf32, #tpu.memory_space<hbm>> -> memref<50x64xf32, #tpu.memory_space<hbm>>
      %dma_wait3A_476 = arith.constant 150 : i32
      %dma_wait3A_477 = arith.constant 0 : i32
      %dma_wait3A_478 = tpu.memref_slice %arg6[%dma_wait3A_476, %dma_wait3A_477] : memref<400x64xf32, #tpu.memory_space<vmem>> -> memref<50x64xf32, #tpu.memory_space<vmem>>
      tpu.wait_dma2 semaphore(%arg10 : memref<!tpu.dma_semaphore, #tpu.memory_space<semaphore_mem>>) src(%dma_wait3A_478 : memref<50x64xf32, #tpu.memory_space<vmem>>) dst(%dma_wait3A_475 : memref<50x64xf32, #tpu.memory_space<hbm>>)
      %dma_wait3A_479 = arith.constant 0 : i32
      %dma_wait3A_480 = arith.constant 200 : i32
      %dma_wait3A_481 = arith.constant 0 : i32
      %dma_wait3A_482 = tpu.memref_slice %arg6[%dma_wait3A_480, %dma_wait3A_481] : memref<400x64xf32, #tpu.memory_space<vmem>> -> memref<50x64xf32, #tpu.memory_space<vmem>>
      %dma_wait3A_483 = arith.constant 0 : i32
      %dma_wait3A_484 = arith.constant 0 : i32
      %dma_wait3A_485 = tpu.memref_slice %arg4[%dma_wait3A_479, %dma_wait3A_483, %dma_wait3A_484] : memref<16384x56x128xf32, #tpu.memory_space<hbm>> -> memref<1x50x64xf32, #tpu.memory_space<hbm>>
      %dma_wait3A_486 = tpu.memref_squeeze %dma_wait3A_485 : memref<1x50x64xf32, #tpu.memory_space<hbm>> -> memref<50x64xf32, #tpu.memory_space<hbm>>
      %dma_wait3A_487 = arith.constant 0 : i32
      %dma_wait3A_488 = arith.constant 0 : i32
      %dma_wait3A_489 = tpu.memref_slice %arg4[%dma_wait3A_479, %dma_wait3A_487, %dma_wait3A_488] : memref<16384x56x128xf32, #tpu.memory_space<hbm>> -> memref<1x50x64xf32, #tpu.memory_space<hbm>>
      %dma_wait3A_490 = tpu.memref_squeeze %dma_wait3A_489 : memref<1x50x64xf32, #tpu.memory_space<hbm>> -> memref<50x64xf32, #tpu.memory_space<hbm>>
      %dma_wait3A_491 = arith.constant 200 : i32
      %dma_wait3A_492 = arith.constant 0 : i32
      %dma_wait3A_493 = tpu.memref_slice %arg6[%dma_wait3A_491, %dma_wait3A_492] : memref<400x64xf32, #tpu.memory_space<vmem>> -> memref<50x64xf32, #tpu.memory_space<vmem>>
      tpu.wait_dma2 semaphore(%arg10 : memref<!tpu.dma_semaphore, #tpu.memory_space<semaphore_mem>>) src(%dma_wait3A_493 : memref<50x64xf32, #tpu.memory_space<vmem>>) dst(%dma_wait3A_490 : memref<50x64xf32, #tpu.memory_space<hbm>>)
      %dma_wait3A_494 = arith.constant 0 : i32
      %dma_wait3A_495 = arith.constant 250 : i32
      %dma_wait3A_496 = arith.constant 0 : i32
      %dma_wait3A_497 = tpu.memref_slice %arg6[%dma_wait3A_495, %dma_wait3A_496] : memref<400x64xf32, #tpu.memory_space<vmem>> -> memref<50x64xf32, #tpu.memory_space<vmem>>
      %dma_wait3A_498 = arith.constant 0 : i32
      %dma_wait3A_499 = arith.constant 0 : i32
      %dma_wait3A_500 = tpu.memref_slice %arg4[%dma_wait3A_494, %dma_wait3A_498, %dma_wait3A_499] : memref<16384x56x128xf32, #tpu.memory_space<hbm>> -> memref<1x50x64xf32, #tpu.memory_space<hbm>>
      %dma_wait3A_501 = tpu.memref_squeeze %dma_wait3A_500 : memref<1x50x64xf32, #tpu.memory_space<hbm>> -> memref<50x64xf32, #tpu.memory_space<hbm>>
      %dma_wait3A_502 = arith.constant 0 : i32
      %dma_wait3A_503 = arith.constant 0 : i32
      %dma_wait3A_504 = tpu.memref_slice %arg4[%dma_wait3A_494, %dma_wait3A_502, %dma_wait3A_503] : memref<16384x56x128xf32, #tpu.memory_space<hbm>> -> memref<1x50x64xf32, #tpu.memory_space<hbm>>
      %dma_wait3A_505 = tpu.memref_squeeze %dma_wait3A_504 : memref<1x50x64xf32, #tpu.memory_space<hbm>> -> memref<50x64xf32, #tpu.memory_space<hbm>>
      %dma_wait3A_506 = arith.constant 250 : i32
      %dma_wait3A_507 = arith.constant 0 : i32
      %dma_wait3A_508 = tpu.memref_slice %arg6[%dma_wait3A_506, %dma_wait3A_507] : memref<400x64xf32, #tpu.memory_space<vmem>> -> memref<50x64xf32, #tpu.memory_space<vmem>>
      tpu.wait_dma2 semaphore(%arg10 : memref<!tpu.dma_semaphore, #tpu.memory_space<semaphore_mem>>) src(%dma_wait3A_508 : memref<50x64xf32, #tpu.memory_space<vmem>>) dst(%dma_wait3A_505 : memref<50x64xf32, #tpu.memory_space<hbm>>)
      %dma_wait3A_509 = arith.constant 0 : i32
      %dma_wait3A_510 = arith.constant 300 : i32
      %dma_wait3A_511 = arith.constant 0 : i32
      %dma_wait3A_512 = tpu.memref_slice %arg6[%dma_wait3A_510, %dma_wait3A_511] : memref<400x64xf32, #tpu.memory_space<vmem>> -> memref<50x64xf32, #tpu.memory_space<vmem>>
      %dma_wait3A_513 = arith.constant 0 : i32
      %dma_wait3A_514 = arith.constant 0 : i32
      %dma_wait3A_515 = tpu.memref_slice %arg4[%dma_wait3A_509, %dma_wait3A_513, %dma_wait3A_514] : memref<16384x56x128xf32, #tpu.memory_space<hbm>> -> memref<1x50x64xf32, #tpu.memory_space<hbm>>
      %dma_wait3A_516 = tpu.memref_squeeze %dma_wait3A_515 : memref<1x50x64xf32, #tpu.memory_space<hbm>> -> memref<50x64xf32, #tpu.memory_space<hbm>>
      %dma_wait3A_517 = arith.constant 0 : i32
      %dma_wait3A_518 = arith.constant 0 : i32
      %dma_wait3A_519 = tpu.memref_slice %arg4[%dma_wait3A_509, %dma_wait3A_517, %dma_wait3A_518] : memref<16384x56x128xf32, #tpu.memory_space<hbm>> -> memref<1x50x64xf32, #tpu.memory_space<hbm>>
      %dma_wait3A_520 = tpu.memref_squeeze %dma_wait3A_519 : memref<1x50x64xf32, #tpu.memory_space<hbm>> -> memref<50x64xf32, #tpu.memory_space<hbm>>
      %dma_wait3A_521 = arith.constant 300 : i32
      %dma_wait3A_522 = arith.constant 0 : i32
      %dma_wait3A_523 = tpu.memref_slice %arg6[%dma_wait3A_521, %dma_wait3A_522] : memref<400x64xf32, #tpu.memory_space<vmem>> -> memref<50x64xf32, #tpu.memory_space<vmem>>
      tpu.wait_dma2 semaphore(%arg10 : memref<!tpu.dma_semaphore, #tpu.memory_space<semaphore_mem>>) src(%dma_wait3A_523 : memref<50x64xf32, #tpu.memory_space<vmem>>) dst(%dma_wait3A_520 : memref<50x64xf32, #tpu.memory_space<hbm>>)
      %dma_wait3A_524 = arith.constant 0 : i32
      %dma_wait3A_525 = arith.constant 350 : i32
      %dma_wait3A_526 = arith.constant 0 : i32
      %dma_wait3A_527 = tpu.memref_slice %arg6[%dma_wait3A_525, %dma_wait3A_526] : memref<400x64xf32, #tpu.memory_space<vmem>> -> memref<50x64xf32, #tpu.memory_space<vmem>>
      %dma_wait3A_528 = arith.constant 0 : i32
      %dma_wait3A_529 = arith.constant 0 : i32
      %dma_wait3A_530 = tpu.memref_slice %arg4[%dma_wait3A_524, %dma_wait3A_528, %dma_wait3A_529] : memref<16384x56x128xf32, #tpu.memory_space<hbm>> -> memref<1x50x64xf32, #tpu.memory_space<hbm>>
      %dma_wait3A_531 = tpu.memref_squeeze %dma_wait3A_530 : memref<1x50x64xf32, #tpu.memory_space<hbm>> -> memref<50x64xf32, #tpu.memory_space<hbm>>
      %dma_wait3A_532 = arith.constant 0 : i32
      %dma_wait3A_533 = arith.constant 0 : i32
      %dma_wait3A_534 = tpu.memref_slice %arg4[%dma_wait3A_524, %dma_wait3A_532, %dma_wait3A_533] : memref<16384x56x128xf32, #tpu.memory_space<hbm>> -> memref<1x50x64xf32, #tpu.memory_space<hbm>>
      %dma_wait3A_535 = tpu.memref_squeeze %dma_wait3A_534 : memref<1x50x64xf32, #tpu.memory_space<hbm>> -> memref<50x64xf32, #tpu.memory_space<hbm>>
      %dma_wait3A_536 = arith.constant 350 : i32
      %dma_wait3A_537 = arith.constant 0 : i32
      %dma_wait3A_538 = tpu.memref_slice %arg6[%dma_wait3A_536, %dma_wait3A_537] : memref<400x64xf32, #tpu.memory_space<vmem>> -> memref<50x64xf32, #tpu.memory_space<vmem>>
      tpu.wait_dma2 semaphore(%arg10 : memref<!tpu.dma_semaphore, #tpu.memory_space<semaphore_mem>>) src(%dma_wait3A_538 : memref<50x64xf32, #tpu.memory_space<vmem>>) dst(%dma_wait3A_535 : memref<50x64xf32, #tpu.memory_space<hbm>>)
      %lt3A = arith.constant 31 : i32
      %lt3A_539 = arith.cmpi slt, %scan3A_166, %lt3A : i32
      %convert_element_type3A_540 = arith.extui %lt3A_539 : i1 to i32
      %cond3A_541 = arith.constant 0 : i32
      %cond3A_542 = arith.cmpi ne, %convert_element_type3A_540, %cond3A_541 : i32
      scf.if %cond3A_542 {
        %mul3A_739 = arith.constant 2 : i32
        %mul3A_740 = arith.muli %mul3A_739, %scan3A_166 : i32
        %add3A_741 = arith.constant 2 : i32
        %add3A_742 = arith.addi %mul3A_740, %add3A_741 : i32
        %mul3A_743 = arith.constant 4 : i32
        %mul3A_744 = arith.muli %add3A_742, %mul3A_743 : i32
        %add3A_745 = arith.constant 0 : i32
        %add3A_746 = arith.addi %mul3A_744, %add3A_745 : i32
        %dma_start3A_747 = arith.constant 0 : i32
        %dma_start3A_748 = arith.constant 0 : i32
        %dma_start3A_749 = tpu.memref_slice %arg6[%dma_start3A_747, %dma_start3A_748] : memref<400x64xf32, #tpu.memory_space<vmem>> -> memref<100x64xf32, #tpu.memory_space<vmem>>
        %dma_start3A_750 = arith.constant 0 : i32
        %dma_start3A_751 = tpu.memref_slice %arg5[%add3A_746, %dma_start3A_750] : memref<256x100xi32, #tpu.memory_space<vmem>> -> memref<1x100xi32, #tpu.memory_space<vmem>>
        %dma_start3A_752 = tpu.memref_squeeze %dma_start3A_751 : memref<1x100xi32, #tpu.memory_space<vmem>> -> memref<100xi32, #tpu.memory_space<vmem>>
        %dma_start3A_753 = arith.constant 0 : i32
        %dma_start3A_754 = arith.constant 0 : i32
        %dma_start3A_755 = tpu.memref_slice %arg3[%dma_start3A_753, %dma_start3A_754] : memref<1000000x64xf32, #tpu.memory_space<hbm>> -> memref<1000000x64xf32, #tpu.memory_space<hbm>>
        tpu.enqueue_indirect_dma source(%dma_start3A_755 : memref<1000000x64xf32, #tpu.memory_space<hbm>>) target(%dma_start3A_749 : memref<100x64xf32, #tpu.memory_space<vmem>>) offsets(%dma_start3A_752 : memref<100xi32, #tpu.memory_space<vmem>>) semaphore(%arg8 : memref<!tpu.dma_semaphore, #tpu.memory_space<semaphore_mem>>)
        %mul3A_756 = arith.constant 4 : i32
        %mul3A_757 = arith.muli %add3A_742, %mul3A_756 : i32
        %add3A_758 = arith.constant 1 : i32
        %add3A_759 = arith.addi %mul3A_757, %add3A_758 : i32
        %dma_start3A_760 = arith.constant 100 : i32
        %dma_start3A_761 = arith.constant 0 : i32
        %dma_start3A_762 = tpu.memref_slice %arg6[%dma_start3A_760, %dma_start3A_761] : memref<400x64xf32, #tpu.memory_space<vmem>> -> memref<100x64xf32, #tpu.memory_space<vmem>>
        %dma_start3A_763 = arith.constant 0 : i32
        %dma_start3A_764 = tpu.memref_slice %arg5[%add3A_759, %dma_start3A_763] : memref<256x100xi32, #tpu.memory_space<vmem>> -> memref<1x100xi32, #tpu.memory_space<vmem>>
        %dma_start3A_765 = tpu.memref_squeeze %dma_start3A_764 : memref<1x100xi32, #tpu.memory_space<vmem>> -> memref<100xi32, #tpu.memory_space<vmem>>
        %dma_start3A_766 = arith.constant 0 : i32
        %dma_start3A_767 = arith.constant 0 : i32
        %dma_start3A_768 = tpu.memref_slice %arg3[%dma_start3A_766, %dma_start3A_767] : memref<1000000x64xf32, #tpu.memory_space<hbm>> -> memref<1000000x64xf32, #tpu.memory_space<hbm>>
        tpu.enqueue_indirect_dma source(%dma_start3A_768 : memref<1000000x64xf32, #tpu.memory_space<hbm>>) target(%dma_start3A_762 : memref<100x64xf32, #tpu.memory_space<vmem>>) offsets(%dma_start3A_765 : memref<100xi32, #tpu.memory_space<vmem>>) semaphore(%arg8 : memref<!tpu.dma_semaphore, #tpu.memory_space<semaphore_mem>>)
        %mul3A_769 = arith.constant 4 : i32
        %mul3A_770 = arith.muli %add3A_742, %mul3A_769 : i32
        %add3A_771 = arith.constant 2 : i32
        %add3A_772 = arith.addi %mul3A_770, %add3A_771 : i32
        %dma_start3A_773 = arith.constant 200 : i32
        %dma_start3A_774 = arith.constant 0 : i32
        %dma_start3A_775 = tpu.memref_slice %arg6[%dma_start3A_773, %dma_start3A_774] : memref<400x64xf32, #tpu.memory_space<vmem>> -> memref<100x64xf32, #tpu.memory_space<vmem>>
        %dma_start3A_776 = arith.constant 0 : i32
        %dma_start3A_777 = tpu.memref_slice %arg5[%add3A_772, %dma_start3A_776] : memref<256x100xi32, #tpu.memory_space<vmem>> -> memref<1x100xi32, #tpu.memory_space<vmem>>
        %dma_start3A_778 = tpu.memref_squeeze %dma_start3A_777 : memref<1x100xi32, #tpu.memory_space<vmem>> -> memref<100xi32, #tpu.memory_space<vmem>>
        %dma_start3A_779 = arith.constant 0 : i32
        %dma_start3A_780 = arith.constant 0 : i32
        %dma_start3A_781 = tpu.memref_slice %arg3[%dma_start3A_779, %dma_start3A_780] : memref<1000000x64xf32, #tpu.memory_space<hbm>> -> memref<1000000x64xf32, #tpu.memory_space<hbm>>
        tpu.enqueue_indirect_dma source(%dma_start3A_781 : memref<1000000x64xf32, #tpu.memory_space<hbm>>) target(%dma_start3A_775 : memref<100x64xf32, #tpu.memory_space<vmem>>) offsets(%dma_start3A_778 : memref<100xi32, #tpu.memory_space<vmem>>) semaphore(%arg8 : memref<!tpu.dma_semaphore, #tpu.memory_space<semaphore_mem>>)
        %mul3A_782 = arith.constant 4 : i32
        %mul3A_783 = arith.muli %add3A_742, %mul3A_782 : i32
        %add3A_784 = arith.constant 3 : i32
        %add3A_785 = arith.addi %mul3A_783, %add3A_784 : i32
        %dma_start3A_786 = arith.constant 300 : i32
        %dma_start3A_787 = arith.constant 0 : i32
        %dma_start3A_788 = tpu.memref_slice %arg6[%dma_start3A_786, %dma_start3A_787] : memref<400x64xf32, #tpu.memory_space<vmem>> -> memref<100x64xf32, #tpu.memory_space<vmem>>
        %dma_start3A_789 = arith.constant 0 : i32
        %dma_start3A_790 = tpu.memref_slice %arg5[%add3A_785, %dma_start3A_789] : memref<256x100xi32, #tpu.memory_space<vmem>> -> memref<1x100xi32, #tpu.memory_space<vmem>>
        %dma_start3A_791 = tpu.memref_squeeze %dma_start3A_790 : memref<1x100xi32, #tpu.memory_space<vmem>> -> memref<100xi32, #tpu.memory_space<vmem>>
        %dma_start3A_792 = arith.constant 0 : i32
        %dma_start3A_793 = arith.constant 0 : i32
        %dma_start3A_794 = tpu.memref_slice %arg3[%dma_start3A_792, %dma_start3A_793] : memref<1000000x64xf32, #tpu.memory_space<hbm>> -> memref<1000000x64xf32, #tpu.memory_space<hbm>>
        tpu.enqueue_indirect_dma source(%dma_start3A_794 : memref<1000000x64xf32, #tpu.memory_space<hbm>>) target(%dma_start3A_788 : memref<100x64xf32, #tpu.memory_space<vmem>>) offsets(%dma_start3A_791 : memref<100xi32, #tpu.memory_space<vmem>>) semaphore(%arg8 : memref<!tpu.dma_semaphore, #tpu.memory_space<semaphore_mem>>)
      } else {
      }
      %dma_wait3A_543 = arith.constant 0 : i32
      %dma_wait3A_544 = arith.constant 0 : i32
      %dma_wait3A_545 = arith.constant 0 : i32
      %dma_wait3A_546 = tpu.memref_slice %arg7[%dma_wait3A_544, %dma_wait3A_545] : memref<400x64xf32, #tpu.memory_space<vmem>> -> memref<100x64xf32, #tpu.memory_space<vmem>>
      %dma_wait3A_547 = arith.constant 0 : i32
      %dma_wait3A_548 = tpu.memref_slice %arg5[%dma_wait3A_543, %dma_wait3A_547] : memref<256x100xi32, #tpu.memory_space<vmem>> -> memref<1x100xi32, #tpu.memory_space<vmem>>
      %dma_wait3A_549 = tpu.memref_squeeze %dma_wait3A_548 : memref<1x100xi32, #tpu.memory_space<vmem>> -> memref<100xi32, #tpu.memory_space<vmem>>
      %dma_wait3A_550 = arith.constant 0 : i32
      %dma_wait3A_551 = arith.constant 0 : i32
      %dma_wait3A_552 = tpu.memref_slice %arg3[%dma_wait3A_550, %dma_wait3A_551] : memref<1000000x64xf32, #tpu.memory_space<hbm>> -> memref<1000000x64xf32, #tpu.memory_space<hbm>>
      tpu.wait_indirect_dma semaphore(%arg9 : memref<!tpu.dma_semaphore, #tpu.memory_space<semaphore_mem>>) src(%dma_wait3A_552 : memref<1000000x64xf32, #tpu.memory_space<hbm>>) dst(%dma_wait3A_546 : memref<100x64xf32, #tpu.memory_space<vmem>>)
      %dma_wait3A_553 = arith.constant 0 : i32
      %dma_wait3A_554 = arith.constant 100 : i32
      %dma_wait3A_555 = arith.constant 0 : i32
      %dma_wait3A_556 = tpu.memref_slice %arg7[%dma_wait3A_554, %dma_wait3A_555] : memref<400x64xf32, #tpu.memory_space<vmem>> -> memref<100x64xf32, #tpu.memory_space<vmem>>
      %dma_wait3A_557 = arith.constant 0 : i32
      %dma_wait3A_558 = tpu.memref_slice %arg5[%dma_wait3A_553, %dma_wait3A_557] : memref<256x100xi32, #tpu.memory_space<vmem>> -> memref<1x100xi32, #tpu.memory_space<vmem>>
      %dma_wait3A_559 = tpu.memref_squeeze %dma_wait3A_558 : memref<1x100xi32, #tpu.memory_space<vmem>> -> memref<100xi32, #tpu.memory_space<vmem>>
      %dma_wait3A_560 = arith.constant 0 : i32
      %dma_wait3A_561 = arith.constant 0 : i32
      %dma_wait3A_562 = tpu.memref_slice %arg3[%dma_wait3A_560, %dma_wait3A_561] : memref<1000000x64xf32, #tpu.memory_space<hbm>> -> memref<1000000x64xf32, #tpu.memory_space<hbm>>
      tpu.wait_indirect_dma semaphore(%arg9 : memref<!tpu.dma_semaphore, #tpu.memory_space<semaphore_mem>>) src(%dma_wait3A_562 : memref<1000000x64xf32, #tpu.memory_space<hbm>>) dst(%dma_wait3A_556 : memref<100x64xf32, #tpu.memory_space<vmem>>)
      %dma_wait3A_563 = arith.constant 0 : i32
      %dma_wait3A_564 = arith.constant 200 : i32
      %dma_wait3A_565 = arith.constant 0 : i32
      %dma_wait3A_566 = tpu.memref_slice %arg7[%dma_wait3A_564, %dma_wait3A_565] : memref<400x64xf32, #tpu.memory_space<vmem>> -> memref<100x64xf32, #tpu.memory_space<vmem>>
      %dma_wait3A_567 = arith.constant 0 : i32
      %dma_wait3A_568 = tpu.memref_slice %arg5[%dma_wait3A_563, %dma_wait3A_567] : memref<256x100xi32, #tpu.memory_space<vmem>> -> memref<1x100xi32, #tpu.memory_space<vmem>>
      %dma_wait3A_569 = tpu.memref_squeeze %dma_wait3A_568 : memref<1x100xi32, #tpu.memory_space<vmem>> -> memref<100xi32, #tpu.memory_space<vmem>>
      %dma_wait3A_570 = arith.constant 0 : i32
      %dma_wait3A_571 = arith.constant 0 : i32
      %dma_wait3A_572 = tpu.memref_slice %arg3[%dma_wait3A_570, %dma_wait3A_571] : memref<1000000x64xf32, #tpu.memory_space<hbm>> -> memref<1000000x64xf32, #tpu.memory_space<hbm>>
      tpu.wait_indirect_dma semaphore(%arg9 : memref<!tpu.dma_semaphore, #tpu.memory_space<semaphore_mem>>) src(%dma_wait3A_572 : memref<1000000x64xf32, #tpu.memory_space<hbm>>) dst(%dma_wait3A_566 : memref<100x64xf32, #tpu.memory_space<vmem>>)
      %dma_wait3A_573 = arith.constant 0 : i32
      %dma_wait3A_574 = arith.constant 300 : i32
      %dma_wait3A_575 = arith.constant 0 : i32
      %dma_wait3A_576 = tpu.memref_slice %arg7[%dma_wait3A_574, %dma_wait3A_575] : memref<400x64xf32, #tpu.memory_space<vmem>> -> memref<100x64xf32, #tpu.memory_space<vmem>>
      %dma_wait3A_577 = arith.constant 0 : i32
      %dma_wait3A_578 = tpu.memref_slice %arg5[%dma_wait3A_573, %dma_wait3A_577] : memref<256x100xi32, #tpu.memory_space<vmem>> -> memref<1x100xi32, #tpu.memory_space<vmem>>
      %dma_wait3A_579 = tpu.memref_squeeze %dma_wait3A_578 : memref<1x100xi32, #tpu.memory_space<vmem>> -> memref<100xi32, #tpu.memory_space<vmem>>
      %dma_wait3A_580 = arith.constant 0 : i32
      %dma_wait3A_581 = arith.constant 0 : i32
      %dma_wait3A_582 = tpu.memref_slice %arg3[%dma_wait3A_580, %dma_wait3A_581] : memref<1000000x64xf32, #tpu.memory_space<hbm>> -> memref<1000000x64xf32, #tpu.memory_space<hbm>>
      tpu.wait_indirect_dma semaphore(%arg9 : memref<!tpu.dma_semaphore, #tpu.memory_space<semaphore_mem>>) src(%dma_wait3A_582 : memref<1000000x64xf32, #tpu.memory_space<hbm>>) dst(%dma_wait3A_576 : memref<100x64xf32, #tpu.memory_space<vmem>>)
      %mul3A_583 = arith.constant 2 : i32
      %mul3A_584 = arith.muli %mul3A_583, %scan3A_166 : i32
      %add3A_585 = arith.constant 1 : i32
      %add3A_586 = arith.addi %mul3A_584, %add3A_585 : i32
      %mul3A_587 = arith.constant 8 : i32
      %mul3A_588 = arith.muli %add3A_586, %mul3A_587 : i32
      %add3A_589 = arith.addi %mul3A_2, %mul3A_588 : i32
      %add3A_590 = arith.constant 0 : i32
      %add3A_591 = arith.addi %add3A_589, %add3A_590 : i32
      %dma_start3A_592 = arith.constant 0 : i32
      %dma_start3A_593 = arith.constant 0 : i32
      %dma_start3A_594 = tpu.memref_slice %arg7[%dma_start3A_592, %dma_start3A_593] : memref<400x64xf32, #tpu.memory_space<vmem>> -> memref<50x64xf32, #tpu.memory_space<vmem>>
      %dma_start3A_595 = arith.constant 0 : i32
      %dma_start3A_596 = arith.constant 0 : i32
      %dma_start3A_597 = tpu.memref_slice %arg4[%add3A_591, %dma_start3A_595, %dma_start3A_596] : memref<16384x56x128xf32, #tpu.memory_space<hbm>> -> memref<1x50x64xf32, #tpu.memory_space<hbm>>
      %dma_start3A_598 = tpu.memref_squeeze %dma_start3A_597 : memref<1x50x64xf32, #tpu.memory_space<hbm>> -> memref<50x64xf32, #tpu.memory_space<hbm>>
      %dma_start3A_599 = arith.constant 0 : i32
      %dma_start3A_600 = arith.constant 0 : i32
      %dma_start3A_601 = tpu.memref_slice %arg4[%add3A_591, %dma_start3A_599, %dma_start3A_600] : memref<16384x56x128xf32, #tpu.memory_space<hbm>> -> memref<1x50x64xf32, #tpu.memory_space<hbm>>
      %dma_start3A_602 = tpu.memref_squeeze %dma_start3A_601 : memref<1x50x64xf32, #tpu.memory_space<hbm>> -> memref<50x64xf32, #tpu.memory_space<hbm>>
      %dma_start3A_603 = arith.constant 0 : i32
      %dma_start3A_604 = arith.constant 0 : i32
      %dma_start3A_605 = tpu.memref_slice %arg7[%dma_start3A_603, %dma_start3A_604] : memref<400x64xf32, #tpu.memory_space<vmem>> -> memref<50x64xf32, #tpu.memory_space<vmem>>
      tpu.enqueue_dma source(%dma_start3A_605 : memref<50x64xf32, #tpu.memory_space<vmem>>) target(%dma_start3A_602 : memref<50x64xf32, #tpu.memory_space<hbm>>) target_semaphore(%arg11 : memref<!tpu.dma_semaphore, #tpu.memory_space<semaphore_mem>>)
      %mul3A_606 = arith.constant 8 : i32
      %mul3A_607 = arith.muli %add3A_586, %mul3A_606 : i32
      %add3A_608 = arith.addi %mul3A_2, %mul3A_607 : i32
      %add3A_609 = arith.constant 1 : i32
      %add3A_610 = arith.addi %add3A_608, %add3A_609 : i32
      %dma_start3A_611 = arith.constant 50 : i32
      %dma_start3A_612 = arith.constant 0 : i32
      %dma_start3A_613 = tpu.memref_slice %arg7[%dma_start3A_611, %dma_start3A_612] : memref<400x64xf32, #tpu.memory_space<vmem>> -> memref<50x64xf32, #tpu.memory_space<vmem>>
      %dma_start3A_614 = arith.constant 0 : i32
      %dma_start3A_615 = arith.constant 0 : i32
      %dma_start3A_616 = tpu.memref_slice %arg4[%add3A_610, %dma_start3A_614, %dma_start3A_615] : memref<16384x56x128xf32, #tpu.memory_space<hbm>> -> memref<1x50x64xf32, #tpu.memory_space<hbm>>
      %dma_start3A_617 = tpu.memref_squeeze %dma_start3A_616 : memref<1x50x64xf32, #tpu.memory_space<hbm>> -> memref<50x64xf32, #tpu.memory_space<hbm>>
      %dma_start3A_618 = arith.constant 0 : i32
      %dma_start3A_619 = arith.constant 0 : i32
      %dma_start3A_620 = tpu.memref_slice %arg4[%add3A_610, %dma_start3A_618, %dma_start3A_619] : memref<16384x56x128xf32, #tpu.memory_space<hbm>> -> memref<1x50x64xf32, #tpu.memory_space<hbm>>
      %dma_start3A_621 = tpu.memref_squeeze %dma_start3A_620 : memref<1x50x64xf32, #tpu.memory_space<hbm>> -> memref<50x64xf32, #tpu.memory_space<hbm>>
      %dma_start3A_622 = arith.constant 50 : i32
      %dma_start3A_623 = arith.constant 0 : i32
      %dma_start3A_624 = tpu.memref_slice %arg7[%dma_start3A_622, %dma_start3A_623] : memref<400x64xf32, #tpu.memory_space<vmem>> -> memref<50x64xf32, #tpu.memory_space<vmem>>
      tpu.enqueue_dma source(%dma_start3A_624 : memref<50x64xf32, #tpu.memory_space<vmem>>) target(%dma_start3A_621 : memref<50x64xf32, #tpu.memory_space<hbm>>) target_semaphore(%arg11 : memref<!tpu.dma_semaphore, #tpu.memory_space<semaphore_mem>>)
      %mul3A_625 = arith.constant 8 : i32
      %mul3A_626 = arith.muli %add3A_586, %mul3A_625 : i32
      %add3A_627 = arith.addi %mul3A_2, %mul3A_626 : i32
      %add3A_628 = arith.constant 2 : i32
      %add3A_629 = arith.addi %add3A_627, %add3A_628 : i32
      %dma_start3A_630 = arith.constant 100 : i32
      %dma_start3A_631 = arith.constant 0 : i32
      %dma_start3A_632 = tpu.memref_slice %arg7[%dma_start3A_630, %dma_start3A_631] : memref<400x64xf32, #tpu.memory_space<vmem>> -> memref<50x64xf32, #tpu.memory_space<vmem>>
      %dma_start3A_633 = arith.constant 0 : i32
      %dma_start3A_634 = arith.constant 0 : i32
      %dma_start3A_635 = tpu.memref_slice %arg4[%add3A_629, %dma_start3A_633, %dma_start3A_634] : memref<16384x56x128xf32, #tpu.memory_space<hbm>> -> memref<1x50x64xf32, #tpu.memory_space<hbm>>
      %dma_start3A_636 = tpu.memref_squeeze %dma_start3A_635 : memref<1x50x64xf32, #tpu.memory_space<hbm>> -> memref<50x64xf32, #tpu.memory_space<hbm>>
      %dma_start3A_637 = arith.constant 0 : i32
      %dma_start3A_638 = arith.constant 0 : i32
      %dma_start3A_639 = tpu.memref_slice %arg4[%add3A_629, %dma_start3A_637, %dma_start3A_638] : memref<16384x56x128xf32, #tpu.memory_space<hbm>> -> memref<1x50x64xf32, #tpu.memory_space<hbm>>
      %dma_start3A_640 = tpu.memref_squeeze %dma_start3A_639 : memref<1x50x64xf32, #tpu.memory_space<hbm>> -> memref<50x64xf32, #tpu.memory_space<hbm>>
      %dma_start3A_641 = arith.constant 100 : i32
      %dma_start3A_642 = arith.constant 0 : i32
      %dma_start3A_643 = tpu.memref_slice %arg7[%dma_start3A_641, %dma_start3A_642] : memref<400x64xf32, #tpu.memory_space<vmem>> -> memref<50x64xf32, #tpu.memory_space<vmem>>
      tpu.enqueue_dma source(%dma_start3A_643 : memref<50x64xf32, #tpu.memory_space<vmem>>) target(%dma_start3A_640 : memref<50x64xf32, #tpu.memory_space<hbm>>) target_semaphore(%arg11 : memref<!tpu.dma_semaphore, #tpu.memory_space<semaphore_mem>>)
      %mul3A_644 = arith.constant 8 : i32
      %mul3A_645 = arith.muli %add3A_586, %mul3A_644 : i32
      %add3A_646 = arith.addi %mul3A_2, %mul3A_645 : i32
      %add3A_647 = arith.constant 3 : i32
      %add3A_648 = arith.addi %add3A_646, %add3A_647 : i32
      %dma_start3A_649 = arith.constant 150 : i32
      %dma_start3A_650 = arith.constant 0 : i32
      %dma_start3A_651 = tpu.memref_slice %arg7[%dma_start3A_649, %dma_start3A_650] : memref<400x64xf32, #tpu.memory_space<vmem>> -> memref<50x64xf32, #tpu.memory_space<vmem>>
      %dma_start3A_652 = arith.constant 0 : i32
      %dma_start3A_653 = arith.constant 0 : i32
      %dma_start3A_654 = tpu.memref_slice %arg4[%add3A_648, %dma_start3A_652, %dma_start3A_653] : memref<16384x56x128xf32, #tpu.memory_space<hbm>> -> memref<1x50x64xf32, #tpu.memory_space<hbm>>
      %dma_start3A_655 = tpu.memref_squeeze %dma_start3A_654 : memref<1x50x64xf32, #tpu.memory_space<hbm>> -> memref<50x64xf32, #tpu.memory_space<hbm>>
      %dma_start3A_656 = arith.constant 0 : i32
      %dma_start3A_657 = arith.constant 0 : i32
      %dma_start3A_658 = tpu.memref_slice %arg4[%add3A_648, %dma_start3A_656, %dma_start3A_657] : memref<16384x56x128xf32, #tpu.memory_space<hbm>> -> memref<1x50x64xf32, #tpu.memory_space<hbm>>
      %dma_start3A_659 = tpu.memref_squeeze %dma_start3A_658 : memref<1x50x64xf32, #tpu.memory_space<hbm>> -> memref<50x64xf32, #tpu.memory_space<hbm>>
      %dma_start3A_660 = arith.constant 150 : i32
      %dma_start3A_661 = arith.constant 0 : i32
      %dma_start3A_662 = tpu.memref_slice %arg7[%dma_start3A_660, %dma_start3A_661] : memref<400x64xf32, #tpu.memory_space<vmem>> -> memref<50x64xf32, #tpu.memory_space<vmem>>
      tpu.enqueue_dma source(%dma_start3A_662 : memref<50x64xf32, #tpu.memory_space<vmem>>) target(%dma_start3A_659 : memref<50x64xf32, #tpu.memory_space<hbm>>) target_semaphore(%arg11 : memref<!tpu.dma_semaphore, #tpu.memory_space<semaphore_mem>>)
      %mul3A_663 = arith.constant 8 : i32
      %mul3A_664 = arith.muli %add3A_586, %mul3A_663 : i32
      %add3A_665 = arith.addi %mul3A_2, %mul3A_664 : i32
      %add3A_666 = arith.constant 4 : i32
      %add3A_667 = arith.addi %add3A_665, %add3A_666 : i32
      %dma_start3A_668 = arith.constant 200 : i32
      %dma_start3A_669 = arith.constant 0 : i32
      %dma_start3A_670 = tpu.memref_slice %arg7[%dma_start3A_668, %dma_start3A_669] : memref<400x64xf32, #tpu.memory_space<vmem>> -> memref<50x64xf32, #tpu.memory_space<vmem>>
      %dma_start3A_671 = arith.constant 0 : i32
      %dma_start3A_672 = arith.constant 0 : i32
      %dma_start3A_673 = tpu.memref_slice %arg4[%add3A_667, %dma_start3A_671, %dma_start3A_672] : memref<16384x56x128xf32, #tpu.memory_space<hbm>> -> memref<1x50x64xf32, #tpu.memory_space<hbm>>
      %dma_start3A_674 = tpu.memref_squeeze %dma_start3A_673 : memref<1x50x64xf32, #tpu.memory_space<hbm>> -> memref<50x64xf32, #tpu.memory_space<hbm>>
      %dma_start3A_675 = arith.constant 0 : i32
      %dma_start3A_676 = arith.constant 0 : i32
      %dma_start3A_677 = tpu.memref_slice %arg4[%add3A_667, %dma_start3A_675, %dma_start3A_676] : memref<16384x56x128xf32, #tpu.memory_space<hbm>> -> memref<1x50x64xf32, #tpu.memory_space<hbm>>
      %dma_start3A_678 = tpu.memref_squeeze %dma_start3A_677 : memref<1x50x64xf32, #tpu.memory_space<hbm>> -> memref<50x64xf32, #tpu.memory_space<hbm>>
      %dma_start3A_679 = arith.constant 200 : i32
      %dma_start3A_680 = arith.constant 0 : i32
      %dma_start3A_681 = tpu.memref_slice %arg7[%dma_start3A_679, %dma_start3A_680] : memref<400x64xf32, #tpu.memory_space<vmem>> -> memref<50x64xf32, #tpu.memory_space<vmem>>
      tpu.enqueue_dma source(%dma_start3A_681 : memref<50x64xf32, #tpu.memory_space<vmem>>) target(%dma_start3A_678 : memref<50x64xf32, #tpu.memory_space<hbm>>) target_semaphore(%arg11 : memref<!tpu.dma_semaphore, #tpu.memory_space<semaphore_mem>>)
      %mul3A_682 = arith.constant 8 : i32
      %mul3A_683 = arith.muli %add3A_586, %mul3A_682 : i32
      %add3A_684 = arith.addi %mul3A_2, %mul3A_683 : i32
      %add3A_685 = arith.constant 5 : i32
      %add3A_686 = arith.addi %add3A_684, %add3A_685 : i32
      %dma_start3A_687 = arith.constant 250 : i32
      %dma_start3A_688 = arith.constant 0 : i32
      %dma_start3A_689 = tpu.memref_slice %arg7[%dma_start3A_687, %dma_start3A_688] : memref<400x64xf32, #tpu.memory_space<vmem>> -> memref<50x64xf32, #tpu.memory_space<vmem>>
      %dma_start3A_690 = arith.constant 0 : i32
      %dma_start3A_691 = arith.constant 0 : i32
      %dma_start3A_692 = tpu.memref_slice %arg4[%add3A_686, %dma_start3A_690, %dma_start3A_691] : memref<16384x56x128xf32, #tpu.memory_space<hbm>> -> memref<1x50x64xf32, #tpu.memory_space<hbm>>
      %dma_start3A_693 = tpu.memref_squeeze %dma_start3A_692 : memref<1x50x64xf32, #tpu.memory_space<hbm>> -> memref<50x64xf32, #tpu.memory_space<hbm>>
      %dma_start3A_694 = arith.constant 0 : i32
      %dma_start3A_695 = arith.constant 0 : i32
      %dma_start3A_696 = tpu.memref_slice %arg4[%add3A_686, %dma_start3A_694, %dma_start3A_695] : memref<16384x56x128xf32, #tpu.memory_space<hbm>> -> memref<1x50x64xf32, #tpu.memory_space<hbm>>
      %dma_start3A_697 = tpu.memref_squeeze %dma_start3A_696 : memref<1x50x64xf32, #tpu.memory_space<hbm>> -> memref<50x64xf32, #tpu.memory_space<hbm>>
      %dma_start3A_698 = arith.constant 250 : i32
      %dma_start3A_699 = arith.constant 0 : i32
      %dma_start3A_700 = tpu.memref_slice %arg7[%dma_start3A_698, %dma_start3A_699] : memref<400x64xf32, #tpu.memory_space<vmem>> -> memref<50x64xf32, #tpu.memory_space<vmem>>
      tpu.enqueue_dma source(%dma_start3A_700 : memref<50x64xf32, #tpu.memory_space<vmem>>) target(%dma_start3A_697 : memref<50x64xf32, #tpu.memory_space<hbm>>) target_semaphore(%arg11 : memref<!tpu.dma_semaphore, #tpu.memory_space<semaphore_mem>>)
      %mul3A_701 = arith.constant 8 : i32
      %mul3A_702 = arith.muli %add3A_586, %mul3A_701 : i32
      %add3A_703 = arith.addi %mul3A_2, %mul3A_702 : i32
      %add3A_704 = arith.constant 6 : i32
      %add3A_705 = arith.addi %add3A_703, %add3A_704 : i32
      %dma_start3A_706 = arith.constant 300 : i32
      %dma_start3A_707 = arith.constant 0 : i32
      %dma_start3A_708 = tpu.memref_slice %arg7[%dma_start3A_706, %dma_start3A_707] : memref<400x64xf32, #tpu.memory_space<vmem>> -> memref<50x64xf32, #tpu.memory_space<vmem>>
      %dma_start3A_709 = arith.constant 0 : i32
      %dma_start3A_710 = arith.constant 0 : i32
      %dma_start3A_711 = tpu.memref_slice %arg4[%add3A_705, %dma_start3A_709, %dma_start3A_710] : memref<16384x56x128xf32, #tpu.memory_space<hbm>> -> memref<1x50x64xf32, #tpu.memory_space<hbm>>
      %dma_start3A_712 = tpu.memref_squeeze %dma_start3A_711 : memref<1x50x64xf32, #tpu.memory_space<hbm>> -> memref<50x64xf32, #tpu.memory_space<hbm>>
      %dma_start3A_713 = arith.constant 0 : i32
      %dma_start3A_714 = arith.constant 0 : i32
      %dma_start3A_715 = tpu.memref_slice %arg4[%add3A_705, %dma_start3A_713, %dma_start3A_714] : memref<16384x56x128xf32, #tpu.memory_space<hbm>> -> memref<1x50x64xf32, #tpu.memory_space<hbm>>
      %dma_start3A_716 = tpu.memref_squeeze %dma_start3A_715 : memref<1x50x64xf32, #tpu.memory_space<hbm>> -> memref<50x64xf32, #tpu.memory_space<hbm>>
      %dma_start3A_717 = arith.constant 300 : i32
      %dma_start3A_718 = arith.constant 0 : i32
      %dma_start3A_719 = tpu.memref_slice %arg7[%dma_start3A_717, %dma_start3A_718] : memref<400x64xf32, #tpu.memory_space<vmem>> -> memref<50x64xf32, #tpu.memory_space<vmem>>
      tpu.enqueue_dma source(%dma_start3A_719 : memref<50x64xf32, #tpu.memory_space<vmem>>) target(%dma_start3A_716 : memref<50x64xf32, #tpu.memory_space<hbm>>) target_semaphore(%arg11 : memref<!tpu.dma_semaphore, #tpu.memory_space<semaphore_mem>>)
      %mul3A_720 = arith.constant 8 : i32
      %mul3A_721 = arith.muli %add3A_586, %mul3A_720 : i32
      %add3A_722 = arith.addi %mul3A_2, %mul3A_721 : i32
      %add3A_723 = arith.constant 7 : i32
      %add3A_724 = arith.addi %add3A_722, %add3A_723 : i32
      %dma_start3A_725 = arith.constant 350 : i32
      %dma_start3A_726 = arith.constant 0 : i32
      %dma_start3A_727 = tpu.memref_slice %arg7[%dma_start3A_725, %dma_start3A_726] : memref<400x64xf32, #tpu.memory_space<vmem>> -> memref<50x64xf32, #tpu.memory_space<vmem>>
      %dma_start3A_728 = arith.constant 0 : i32
      %dma_start3A_729 = arith.constant 0 : i32
      %dma_start3A_730 = tpu.memref_slice %arg4[%add3A_724, %dma_start3A_728, %dma_start3A_729] : memref<16384x56x128xf32, #tpu.memory_space<hbm>> -> memref<1x50x64xf32, #tpu.memory_space<hbm>>
      %dma_start3A_731 = tpu.memref_squeeze %dma_start3A_730 : memref<1x50x64xf32, #tpu.memory_space<hbm>> -> memref<50x64xf32, #tpu.memory_space<hbm>>
      %dma_start3A_732 = arith.constant 0 : i32
      %dma_start3A_733 = arith.constant 0 : i32
      %dma_start3A_734 = tpu.memref_slice %arg4[%add3A_724, %dma_start3A_732, %dma_start3A_733] : memref<16384x56x128xf32, #tpu.memory_space<hbm>> -> memref<1x50x64xf32, #tpu.memory_space<hbm>>
      %dma_start3A_735 = tpu.memref_squeeze %dma_start3A_734 : memref<1x50x64xf32, #tpu.memory_space<hbm>> -> memref<50x64xf32, #tpu.memory_space<hbm>>
      %dma_start3A_736 = arith.constant 350 : i32
      %dma_start3A_737 = arith.constant 0 : i32
      %dma_start3A_738 = tpu.memref_slice %arg7[%dma_start3A_736, %dma_start3A_737] : memref<400x64xf32, #tpu.memory_space<vmem>> -> memref<50x64xf32, #tpu.memory_space<vmem>>
      tpu.enqueue_dma source(%dma_start3A_738 : memref<50x64xf32, #tpu.memory_space<vmem>>) target(%dma_start3A_735 : memref<50x64xf32, #tpu.memory_space<hbm>>) target_semaphore(%arg11 : memref<!tpu.dma_semaphore, #tpu.memory_space<semaphore_mem>>)
    }
    %scan3A_46 = arith.constant 32 : i32
    %dma_wait3A = arith.constant 0 : i32
    %dma_wait3A_47 = arith.constant 0 : i32
    %dma_wait3A_48 = arith.constant 0 : i32
    %dma_wait3A_49 = tpu.memref_slice %arg7[%dma_wait3A_47, %dma_wait3A_48] : memref<400x64xf32, #tpu.memory_space<vmem>> -> memref<50x64xf32, #tpu.memory_space<vmem>>
    %dma_wait3A_50 = arith.constant 0 : i32
    %dma_wait3A_51 = arith.constant 0 : i32
    %dma_wait3A_52 = tpu.memref_slice %arg4[%dma_wait3A, %dma_wait3A_50, %dma_wait3A_51] : memref<16384x56x128xf32, #tpu.memory_space<hbm>> -> memref<1x50x64xf32, #tpu.memory_space<hbm>>
    %dma_wait3A_53 = tpu.memref_squeeze %dma_wait3A_52 : memref<1x50x64xf32, #tpu.memory_space<hbm>> -> memref<50x64xf32, #tpu.memory_space<hbm>>
    %dma_wait3A_54 = arith.constant 0 : i32
    %dma_wait3A_55 = arith.constant 0 : i32
    %dma_wait3A_56 = tpu.memref_slice %arg4[%dma_wait3A, %dma_wait3A_54, %dma_wait3A_55] : memref<16384x56x128xf32, #tpu.memory_space<hbm>> -> memref<1x50x64xf32, #tpu.memory_space<hbm>>
    %dma_wait3A_57 = tpu.memref_squeeze %dma_wait3A_56 : memref<1x50x64xf32, #tpu.memory_space<hbm>> -> memref<50x64xf32, #tpu.memory_space<hbm>>
    %dma_wait3A_58 = arith.constant 0 : i32
    %dma_wait3A_59 = arith.constant 0 : i32
    %dma_wait3A_60 = tpu.memref_slice %arg7[%dma_wait3A_58, %dma_wait3A_59] : memref<400x64xf32, #tpu.memory_space<vmem>> -> memref<50x64xf32, #tpu.memory_space<vmem>>
    tpu.wait_dma2 semaphore(%arg11 : memref<!tpu.dma_semaphore, #tpu.memory_space<semaphore_mem>>) src(%dma_wait3A_60 : memref<50x64xf32, #tpu.memory_space<vmem>>) dst(%dma_wait3A_57 : memref<50x64xf32, #tpu.memory_space<hbm>>)
    %dma_wait3A_61 = arith.constant 0 : i32
    %dma_wait3A_62 = arith.constant 50 : i32
    %dma_wait3A_63 = arith.constant 0 : i32
    %dma_wait3A_64 = tpu.memref_slice %arg7[%dma_wait3A_62, %dma_wait3A_63] : memref<400x64xf32, #tpu.memory_space<vmem>> -> memref<50x64xf32, #tpu.memory_space<vmem>>
    %dma_wait3A_65 = arith.constant 0 : i32
    %dma_wait3A_66 = arith.constant 0 : i32
    %dma_wait3A_67 = tpu.memref_slice %arg4[%dma_wait3A_61, %dma_wait3A_65, %dma_wait3A_66] : memref<16384x56x128xf32, #tpu.memory_space<hbm>> -> memref<1x50x64xf32, #tpu.memory_space<hbm>>
    %dma_wait3A_68 = tpu.memref_squeeze %dma_wait3A_67 : memref<1x50x64xf32, #tpu.memory_space<hbm>> -> memref<50x64xf32, #tpu.memory_space<hbm>>
    %dma_wait3A_69 = arith.constant 0 : i32
    %dma_wait3A_70 = arith.constant 0 : i32
    %dma_wait3A_71 = tpu.memref_slice %arg4[%dma_wait3A_61, %dma_wait3A_69, %dma_wait3A_70] : memref<16384x56x128xf32, #tpu.memory_space<hbm>> -> memref<1x50x64xf32, #tpu.memory_space<hbm>>
    %dma_wait3A_72 = tpu.memref_squeeze %dma_wait3A_71 : memref<1x50x64xf32, #tpu.memory_space<hbm>> -> memref<50x64xf32, #tpu.memory_space<hbm>>
    %dma_wait3A_73 = arith.constant 50 : i32
    %dma_wait3A_74 = arith.constant 0 : i32
    %dma_wait3A_75 = tpu.memref_slice %arg7[%dma_wait3A_73, %dma_wait3A_74] : memref<400x64xf32, #tpu.memory_space<vmem>> -> memref<50x64xf32, #tpu.memory_space<vmem>>
    tpu.wait_dma2 semaphore(%arg11 : memref<!tpu.dma_semaphore, #tpu.memory_space<semaphore_mem>>) src(%dma_wait3A_75 : memref<50x64xf32, #tpu.memory_space<vmem>>) dst(%dma_wait3A_72 : memref<50x64xf32, #tpu.memory_space<hbm>>)
    %dma_wait3A_76 = arith.constant 0 : i32
    %dma_wait3A_77 = arith.constant 100 : i32
    %dma_wait3A_78 = arith.constant 0 : i32
    %dma_wait3A_79 = tpu.memref_slice %arg7[%dma_wait3A_77, %dma_wait3A_78] : memref<400x64xf32, #tpu.memory_space<vmem>> -> memref<50x64xf32, #tpu.memory_space<vmem>>
    %dma_wait3A_80 = arith.constant 0 : i32
    %dma_wait3A_81 = arith.constant 0 : i32
    %dma_wait3A_82 = tpu.memref_slice %arg4[%dma_wait3A_76, %dma_wait3A_80, %dma_wait3A_81] : memref<16384x56x128xf32, #tpu.memory_space<hbm>> -> memref<1x50x64xf32, #tpu.memory_space<hbm>>
    %dma_wait3A_83 = tpu.memref_squeeze %dma_wait3A_82 : memref<1x50x64xf32, #tpu.memory_space<hbm>> -> memref<50x64xf32, #tpu.memory_space<hbm>>
    %dma_wait3A_84 = arith.constant 0 : i32
    %dma_wait3A_85 = arith.constant 0 : i32
    %dma_wait3A_86 = tpu.memref_slice %arg4[%dma_wait3A_76, %dma_wait3A_84, %dma_wait3A_85] : memref<16384x56x128xf32, #tpu.memory_space<hbm>> -> memref<1x50x64xf32, #tpu.memory_space<hbm>>
    %dma_wait3A_87 = tpu.memref_squeeze %dma_wait3A_86 : memref<1x50x64xf32, #tpu.memory_space<hbm>> -> memref<50x64xf32, #tpu.memory_space<hbm>>
    %dma_wait3A_88 = arith.constant 100 : i32
    %dma_wait3A_89 = arith.constant 0 : i32
    %dma_wait3A_90 = tpu.memref_slice %arg7[%dma_wait3A_88, %dma_wait3A_89] : memref<400x64xf32, #tpu.memory_space<vmem>> -> memref<50x64xf32, #tpu.memory_space<vmem>>
    tpu.wait_dma2 semaphore(%arg11 : memref<!tpu.dma_semaphore, #tpu.memory_space<semaphore_mem>>) src(%dma_wait3A_90 : memref<50x64xf32, #tpu.memory_space<vmem>>) dst(%dma_wait3A_87 : memref<50x64xf32, #tpu.memory_space<hbm>>)
    %dma_wait3A_91 = arith.constant 0 : i32
    %dma_wait3A_92 = arith.constant 150 : i32
    %dma_wait3A_93 = arith.constant 0 : i32
    %dma_wait3A_94 = tpu.memref_slice %arg7[%dma_wait3A_92, %dma_wait3A_93] : memref<400x64xf32, #tpu.memory_space<vmem>> -> memref<50x64xf32, #tpu.memory_space<vmem>>
    %dma_wait3A_95 = arith.constant 0 : i32
    %dma_wait3A_96 = arith.constant 0 : i32
    %dma_wait3A_97 = tpu.memref_slice %arg4[%dma_wait3A_91, %dma_wait3A_95, %dma_wait3A_96] : memref<16384x56x128xf32, #tpu.memory_space<hbm>> -> memref<1x50x64xf32, #tpu.memory_space<hbm>>
    %dma_wait3A_98 = tpu.memref_squeeze %dma_wait3A_97 : memref<1x50x64xf32, #tpu.memory_space<hbm>> -> memref<50x64xf32, #tpu.memory_space<hbm>>
    %dma_wait3A_99 = arith.constant 0 : i32
    %dma_wait3A_100 = arith.constant 0 : i32
    %dma_wait3A_101 = tpu.memref_slice %arg4[%dma_wait3A_91, %dma_wait3A_99, %dma_wait3A_100] : memref<16384x56x128xf32, #tpu.memory_space<hbm>> -> memref<1x50x64xf32, #tpu.memory_space<hbm>>
    %dma_wait3A_102 = tpu.memref_squeeze %dma_wait3A_101 : memref<1x50x64xf32, #tpu.memory_space<hbm>> -> memref<50x64xf32, #tpu.memory_space<hbm>>
    %dma_wait3A_103 = arith.constant 150 : i32
    %dma_wait3A_104 = arith.constant 0 : i32
    %dma_wait3A_105 = tpu.memref_slice %arg7[%dma_wait3A_103, %dma_wait3A_104] : memref<400x64xf32, #tpu.memory_space<vmem>> -> memref<50x64xf32, #tpu.memory_space<vmem>>
    tpu.wait_dma2 semaphore(%arg11 : memref<!tpu.dma_semaphore, #tpu.memory_space<semaphore_mem>>) src(%dma_wait3A_105 : memref<50x64xf32, #tpu.memory_space<vmem>>) dst(%dma_wait3A_102 : memref<50x64xf32, #tpu.memory_space<hbm>>)
    %dma_wait3A_106 = arith.constant 0 : i32
    %dma_wait3A_107 = arith.constant 200 : i32
    %dma_wait3A_108 = arith.constant 0 : i32
    %dma_wait3A_109 = tpu.memref_slice %arg7[%dma_wait3A_107, %dma_wait3A_108] : memref<400x64xf32, #tpu.memory_space<vmem>> -> memref<50x64xf32, #tpu.memory_space<vmem>>
    %dma_wait3A_110 = arith.constant 0 : i32
    %dma_wait3A_111 = arith.constant 0 : i32
    %dma_wait3A_112 = tpu.memref_slice %arg4[%dma_wait3A_106, %dma_wait3A_110, %dma_wait3A_111] : memref<16384x56x128xf32, #tpu.memory_space<hbm>> -> memref<1x50x64xf32, #tpu.memory_space<hbm>>
    %dma_wait3A_113 = tpu.memref_squeeze %dma_wait3A_112 : memref<1x50x64xf32, #tpu.memory_space<hbm>> -> memref<50x64xf32, #tpu.memory_space<hbm>>
    %dma_wait3A_114 = arith.constant 0 : i32
    %dma_wait3A_115 = arith.constant 0 : i32
    %dma_wait3A_116 = tpu.memref_slice %arg4[%dma_wait3A_106, %dma_wait3A_114, %dma_wait3A_115] : memref<16384x56x128xf32, #tpu.memory_space<hbm>> -> memref<1x50x64xf32, #tpu.memory_space<hbm>>
    %dma_wait3A_117 = tpu.memref_squeeze %dma_wait3A_116 : memref<1x50x64xf32, #tpu.memory_space<hbm>> -> memref<50x64xf32, #tpu.memory_space<hbm>>
    %dma_wait3A_118 = arith.constant 200 : i32
    %dma_wait3A_119 = arith.constant 0 : i32
    %dma_wait3A_120 = tpu.memref_slice %arg7[%dma_wait3A_118, %dma_wait3A_119] : memref<400x64xf32, #tpu.memory_space<vmem>> -> memref<50x64xf32, #tpu.memory_space<vmem>>
    tpu.wait_dma2 semaphore(%arg11 : memref<!tpu.dma_semaphore, #tpu.memory_space<semaphore_mem>>) src(%dma_wait3A_120 : memref<50x64xf32, #tpu.memory_space<vmem>>) dst(%dma_wait3A_117 : memref<50x64xf32, #tpu.memory_space<hbm>>)
    %dma_wait3A_121 = arith.constant 0 : i32
    %dma_wait3A_122 = arith.constant 250 : i32
    %dma_wait3A_123 = arith.constant 0 : i32
    %dma_wait3A_124 = tpu.memref_slice %arg7[%dma_wait3A_122, %dma_wait3A_123] : memref<400x64xf32, #tpu.memory_space<vmem>> -> memref<50x64xf32, #tpu.memory_space<vmem>>
    %dma_wait3A_125 = arith.constant 0 : i32
    %dma_wait3A_126 = arith.constant 0 : i32
    %dma_wait3A_127 = tpu.memref_slice %arg4[%dma_wait3A_121, %dma_wait3A_125, %dma_wait3A_126] : memref<16384x56x128xf32, #tpu.memory_space<hbm>> -> memref<1x50x64xf32, #tpu.memory_space<hbm>>
    %dma_wait3A_128 = tpu.memref_squeeze %dma_wait3A_127 : memref<1x50x64xf32, #tpu.memory_space<hbm>> -> memref<50x64xf32, #tpu.memory_space<hbm>>
    %dma_wait3A_129 = arith.constant 0 : i32
    %dma_wait3A_130 = arith.constant 0 : i32
    %dma_wait3A_131 = tpu.memref_slice %arg4[%dma_wait3A_121, %dma_wait3A_129, %dma_wait3A_130] : memref<16384x56x128xf32, #tpu.memory_space<hbm>> -> memref<1x50x64xf32, #tpu.memory_space<hbm>>
    %dma_wait3A_132 = tpu.memref_squeeze %dma_wait3A_131 : memref<1x50x64xf32, #tpu.memory_space<hbm>> -> memref<50x64xf32, #tpu.memory_space<hbm>>
    %dma_wait3A_133 = arith.constant 250 : i32
    %dma_wait3A_134 = arith.constant 0 : i32
    %dma_wait3A_135 = tpu.memref_slice %arg7[%dma_wait3A_133, %dma_wait3A_134] : memref<400x64xf32, #tpu.memory_space<vmem>> -> memref<50x64xf32, #tpu.memory_space<vmem>>
    tpu.wait_dma2 semaphore(%arg11 : memref<!tpu.dma_semaphore, #tpu.memory_space<semaphore_mem>>) src(%dma_wait3A_135 : memref<50x64xf32, #tpu.memory_space<vmem>>) dst(%dma_wait3A_132 : memref<50x64xf32, #tpu.memory_space<hbm>>)
    %dma_wait3A_136 = arith.constant 0 : i32
    %dma_wait3A_137 = arith.constant 300 : i32
    %dma_wait3A_138 = arith.constant 0 : i32
    %dma_wait3A_139 = tpu.memref_slice %arg7[%dma_wait3A_137, %dma_wait3A_138] : memref<400x64xf32, #tpu.memory_space<vmem>> -> memref<50x64xf32, #tpu.memory_space<vmem>>
    %dma_wait3A_140 = arith.constant 0 : i32
    %dma_wait3A_141 = arith.constant 0 : i32
    %dma_wait3A_142 = tpu.memref_slice %arg4[%dma_wait3A_136, %dma_wait3A_140, %dma_wait3A_141] : memref<16384x56x128xf32, #tpu.memory_space<hbm>> -> memref<1x50x64xf32, #tpu.memory_space<hbm>>
    %dma_wait3A_143 = tpu.memref_squeeze %dma_wait3A_142 : memref<1x50x64xf32, #tpu.memory_space<hbm>> -> memref<50x64xf32, #tpu.memory_space<hbm>>
    %dma_wait3A_144 = arith.constant 0 : i32
    %dma_wait3A_145 = arith.constant 0 : i32
    %dma_wait3A_146 = tpu.memref_slice %arg4[%dma_wait3A_136, %dma_wait3A_144, %dma_wait3A_145] : memref<16384x56x128xf32, #tpu.memory_space<hbm>> -> memref<1x50x64xf32, #tpu.memory_space<hbm>>
    %dma_wait3A_147 = tpu.memref_squeeze %dma_wait3A_146 : memref<1x50x64xf32, #tpu.memory_space<hbm>> -> memref<50x64xf32, #tpu.memory_space<hbm>>
    %dma_wait3A_148 = arith.constant 300 : i32
    %dma_wait3A_149 = arith.constant 0 : i32
    %dma_wait3A_150 = tpu.memref_slice %arg7[%dma_wait3A_148, %dma_wait3A_149] : memref<400x64xf32, #tpu.memory_space<vmem>> -> memref<50x64xf32, #tpu.memory_space<vmem>>
    tpu.wait_dma2 semaphore(%arg11 : memref<!tpu.dma_semaphore, #tpu.memory_space<semaphore_mem>>) src(%dma_wait3A_150 : memref<50x64xf32, #tpu.memory_space<vmem>>) dst(%dma_wait3A_147 : memref<50x64xf32, #tpu.memory_space<hbm>>)
    %dma_wait3A_151 = arith.constant 0 : i32
    %dma_wait3A_152 = arith.constant 350 : i32
    %dma_wait3A_153 = arith.constant 0 : i32
    %dma_wait3A_154 = tpu.memref_slice %arg7[%dma_wait3A_152, %dma_wait3A_153] : memref<400x64xf32, #tpu.memory_space<vmem>> -> memref<50x64xf32, #tpu.memory_space<vmem>>
    %dma_wait3A_155 = arith.constant 0 : i32
    %dma_wait3A_156 = arith.constant 0 : i32
    %dma_wait3A_157 = tpu.memref_slice %arg4[%dma_wait3A_151, %dma_wait3A_155, %dma_wait3A_156] : memref<16384x56x128xf32, #tpu.memory_space<hbm>> -> memref<1x50x64xf32, #tpu.memory_space<hbm>>
    %dma_wait3A_158 = tpu.memref_squeeze %dma_wait3A_157 : memref<1x50x64xf32, #tpu.memory_space<hbm>> -> memref<50x64xf32, #tpu.memory_space<hbm>>
    %dma_wait3A_159 = arith.constant 0 : i32
    %dma_wait3A_160 = arith.constant 0 : i32
    %dma_wait3A_161 = tpu.memref_slice %arg4[%dma_wait3A_151, %dma_wait3A_159, %dma_wait3A_160] : memref<16384x56x128xf32, #tpu.memory_space<hbm>> -> memref<1x50x64xf32, #tpu.memory_space<hbm>>
    %dma_wait3A_162 = tpu.memref_squeeze %dma_wait3A_161 : memref<1x50x64xf32, #tpu.memory_space<hbm>> -> memref<50x64xf32, #tpu.memory_space<hbm>>
    %dma_wait3A_163 = arith.constant 350 : i32
    %dma_wait3A_164 = arith.constant 0 : i32
    %dma_wait3A_165 = tpu.memref_slice %arg7[%dma_wait3A_163, %dma_wait3A_164] : memref<400x64xf32, #tpu.memory_space<vmem>> -> memref<50x64xf32, #tpu.memory_space<vmem>>
    tpu.wait_dma2 semaphore(%arg11 : memref<!tpu.dma_semaphore, #tpu.memory_space<semaphore_mem>>) src(%dma_wait3A_165 : memref<50x64xf32, #tpu.memory_space<vmem>>) dst(%dma_wait3A_162 : memref<50x64xf32, #tpu.memory_space<hbm>>)
    return
  }
}

</mosaic_0001>

<sc_bundles>
// kernel: kernel.3.cloned.1.call-start
scs
__scs_entry_jumppad:
0x0: {  	(pc) =	sbr.rel $0x88, $3  }
0x1: {  	(tag) =	ssettag $0x0;
	lr =	simm.s32 $0x1  }
0x2: {  	[smem:$0x3F9F] =	sst lr;
	_ =	strace $0xD0000000  }
0x3: {  	_ = 	snop  }
0x4: {  	_ = 	snop  }
0x5: {  	_ = 	snop  }
0x6: {  	_ = 	snop  }
0x7: {  	_ = 	snop  }
__scs_overlays_trampoline_lowered:
0x8: {  	[smem:$0x3FAE] =	sst s0  }
0x9: {  	[smem:$0x3FAF] =	sst s1  }
0xa: {  	[smem:$0x3FB0] =	sst s2  }
0xb: {  	[smem:$0x3FB1] =	sst s3  }
0xc: {  	[smem:$0x3FB2] =	sst s4  }
0xd: {  	[smem:$0x3FB3] =	sst s5  }
0xe: {  	[smem:$0x3FB4] =	sst s6  }
0xf: {  	[smem:$0x3FB5] =	sst s7  }
0x10: {  	[smem:$0x3FB6] =	sst s8  }
0x11: {  	[smem:$0x3FB7] =	sst s9;
	s0 =	simm.s32 @!p0 $0x0  }
0x12: {  	s1 =	sld [smem:$0x3F9D];
	s0 =	simm.s32 @p0 $0x1  }
0x13: {  	[smem:$0x3FB8] =	sst s0;
	s0 =	simm.s32 @!p1 $0x0  }
0x14: {  	s2 =	sld [smem:$0x3F9C];
	s0 =	simm.s32 @p1 $0x1  }
0x15: {  	[smem:$0x3FB9] =	sst s0;
	s0 =	simm.s32 @!p2 $0x0  }
0x16: {  	s3 =	sld [smem:$0x3FDB];
	s0 =	simm.s32 @p2 $0x1  }
0x17: {  	s4 =	simm.s32 $0x1BF5;
	[smem:$0x3FBB] =	sst s0  }
0x18: {  	s0 =	sld [smem:$0x3F9E];
	_ =	swait.ge [sflag:s4], $0x0  }
0x19: {  	s7 =	sld [smem:$0x3F9F]  }
0x1a: {  	s8 =	sadd.s32 $0xFFFFE003, lr  }
0x1b: {  	s9 =	sadd.s32 $0xFFFFFEF7, lr;
	s5 =	simm.s32 $0xFFFFFFFF;
	p2 =	slt.u32 s8, $0xFFFFF086  }
0x1c: {  	p1 =	slt.u32 s9, $0xF7A;
	s5 =	simm.s32 @!p2 $0x0  }
0x1d: {  	s5 =	simm.s32 @p1 $0x1;
	p0 =	seq.s32 s7, s2  }
0x1e: {  	s7 =	smul.u32 @!p0 $0xF7A, s2;
	p2 =	seq.s32 @!p0 s5, $0x0  }
0x1f: {  	s9 =	smul.u32 $0xF7A, s1;
	s8 =	simm.s32 @!p0 $0x1BF5;
	p2 =	por !p2, p0  }
0x20: {  	[sflag:s8] =	ssyncset.s32 @!p0 $0xFFFFF086;
	s6 =	sadd.s32 @!p0 s3, s7;
	s7 =	simm.s32 @!p0 $0x108  }
0x21: {  	s3 =	sadd.s32 s3, s9;
	s6 =	sadd.s32 @!p0 $0x88, s6;
	s7 =	simm.s32 @p2 $0x1082  }
0x22: {  	[simem:s7], [sflag:s8] =	dma.local @!p0 [hbm:s6], $0xF7A  }
0x23: {  	s9 =	sor.u32 $0xD0000000, s2;
	s6 =	simm.s32 $0x108;
	_ =	swait.ge @!p0 [sflag:s8], $0x0  }
0x24: {  	s3 =	sadd.s32 $0x88, s3;
	s6 =	simm.s32 @!p1 $0x1082;
	[sflag:s4] =	ssyncset.s32 $0xFFFFF086  }
0x25: {  	[simem:s6], [sflag:s4] =	dma.local [hbm:s3], $0xF7A  }
0x26: {  	[smem:$0x3F9F] =	sst s1;
	(tag) =	ssettag s2;
	_ =	strace s9  }
0x27: {  	s1 =	sld [smem:$0x3FAF]  }
0x28: {  	s2 =	sld [smem:$0x3FB0]  }
0x29: {  	s4 =	sld [smem:$0x3FB2]  }
0x2a: {  	p0 =	seq.s32 s5, $0x0;
	s5 =	sld [smem:$0x3FB3]  }
0x2b: {  	s6 =	sld [smem:$0x3FB4]  }
0x2c: {  	s7 =	sld [smem:$0x3FB5]  }
0x2d: {  	s3 =	simm.s32 $0x108;
	s8 =	sld [smem:$0x3FB6]  }
0x2e: {  	s3 =	simm.s32 @!p0 $0x1082;
	s9 =	sld [smem:$0x3FB7]  }
0x2f: {  	lr =	sadd.s32 s0, s3;
	s0 =	sld [smem:$0x3FAE]  }
0x30: {  	s3 =	sld [smem:$0x3FB1]  }
0x31: {  	[smem:$0x3FBA] =	sst s10  }
0x32: {  	s10 =	sld [smem:$0x3FB8];
	_ =	sdelay $0x3  }
0x33: {  	p0 =	seq.s32 s10, $0x1;
	s10 =	sld [smem:$0x3FBA];
	_ =	sdelay $0x3  }
0x34: {  	[smem:$0x3FBA] =	sst s10  }
0x35: {  	s10 =	sld [smem:$0x3FB9];
	_ =	sdelay $0x3  }
0x36: {  	p1 =	seq.s32 s10, $0x1;
	s10 =	sld [smem:$0x3FBA];
	_ =	sdelay $0x3  }
0x37: {  	[smem:$0x3FBA] =	sst s10  }
0x38: {  	s10 =	sld [smem:$0x3FBB]  }
0x39: {  	_ = 	snop;
	(pc) =	sbr.ind lr, $3  }
0x3a: {  	_ = 	snop  }
0x3b: {  	_ = 	snop  }
0x3c: {  	p2 =	seq.s32 s10, $0x1;
	s10 =	sld [smem:$0x3FBA]  }
0x3d: {  	_ =	shalt  }
0x3e: {  	_ =	shalt  }
0x3f: {  	_ =	shalt  }
0x40: {  	_ =	shalt  }
0x41: {  	_ =	shalt  }
0x42: {  	_ =	shalt  }
0x43: {  	_ =	shalt  }
0x44: {  	_ =	shalt  }
0x45: {  	_ =	shalt  }
0x46: {  	_ =	shalt  }
0x47: {  	_ =	shalt  }
0x48: {  	_ =	shalt  }
0x49: {  	_ =	shalt  }
0x4a: {  	_ =	shalt  }
0x4b: {  	_ =	shalt  }
0x4c: {  	_ =	shalt  }
0x4d: {  	_ =	shalt  }
0x4e: {  	_ =	shalt  }
0x4f: {  	_ =	shalt  }
0x50: {  	_ =	shalt  }
0x51: {  	_ =	shalt  }
0x52: {  	_ =	shalt  }
0x53: {  	_ =	shalt  }
0x54: {  	_ =	shalt  }
0x55: {  	_ =	shalt  }
0x56: {  	_ =	shalt  }
0x57: {  	_ =	shalt  }
0x58: {  	_ =	shalt  }
0x59: {  	_ =	shalt  }
0x5a: {  	_ =	shalt  }
0x5b: {  	_ =	shalt  }
0x5c: {  	_ =	shalt  }
0x5d: {  	_ =	shalt  }
0x5e: {  	_ =	shalt  }
0x5f: {  	_ =	shalt  }
0x60: {  	_ =	shalt  }
0x61: {  	_ =	shalt  }
0x62: {  	_ =	shalt  }
0x63: {  	_ =	shalt  }
0x64: {  	_ =	shalt  }
0x65: {  	_ =	shalt  }
0x66: {  	_ =	shalt  }
0x67: {  	_ =	shalt  }
0x68: {  	_ =	shalt  }
0x69: {  	_ =	shalt  }
0x6a: {  	_ =	shalt  }
0x6b: {  	_ =	shalt  }
0x6c: {  	_ =	shalt  }
0x6d: {  	_ =	shalt  }
0x6e: {  	_ =	shalt  }
0x6f: {  	_ =	shalt  }
0x70: {  	_ =	shalt  }
0x71: {  	_ =	shalt  }
0x72: {  	_ =	shalt  }
0x73: {  	_ =	shalt  }
0x74: {  	_ =	shalt  }
0x75: {  	_ =	shalt  }
0x76: {  	_ =	shalt  }
0x77: {  	_ =	shalt  }
0x78: {  	_ =	shalt  }
0x79: {  	_ =	shalt  }
0x7a: {  	_ =	shalt  }
0x7b: {  	_ =	shalt  }
0x7c: {  	_ =	shalt  }
0x7d: {  	_ =	shalt  }
0x7e: {  	_ =	shalt  }
0x7f: {  	_ =	shalt  }
0x80: {  	_ =	shalt  }
0x81: {  	_ =	shalt  }
0x82: {  	_ =	shalt  }
0x83: {  	_ =	shalt  }
0x84: {  	_ =	shalt  }
0x85: {  	_ =	shalt  }
0x86: {  	_ =	shalt  }
0x87: {  	_ =	shalt  }
.Lfunc_end0:
.L_simem_size_0:
called_computation.1_lowered:
.L_overlay_start_0:
0x88: {  	s2 =	sld [smem:$0x3FD9]  }
0x89: {  	s3 =	sld [smem:$0x3FFE];
	_ =	sdelay $0x1  }
0x8a: {  	s1 =	srdreg.scid  }
0x8b: {  	s0 =	sand.u32 $0x1, s1  }
0x8c: {  	s17 =	sshll.u32 s0, $0xA;
	s2 =	sadd.s32 s3, s2  }
0x8d: {  	s2 =	sadd.s32 s2, s17  }
0x8e: {  	[smem:$0x3FC6] =	sst s2  }
0x8f: {  	_ = 	snop  }
0x90: {  	s2 =	sld [smem:$0x3FD0];
	(tm) =	ssettm $0x1  }
0x91: {  	s18 =	sld [smem:$0x3FFB];
	_ =	sdelay $0x3  }
0x92: {  	_ =	strace s18  }
0x93: {  	s3 =	sld [smem:$0x3FFC];
	_ =	sdelay $0x3  }
0x94: {  	_ =	strace s3  }
0x95: {  	s3 =	sld [smem:$0x3FFD];
	_ =	sdelay $0x3  }
0x96: {  	_ =	strace s3  }
0x97: {  	_ =	strace $0x8FFFFFFF  }
0x98: {  	s19 =	sld [smem:$0x3FDB];
	_ =	sdelay $0x1  }
0x99: {  	s4 =	simm.s32 $_scs_section_size  }
0x9a: {  	s5 =	simm.s32 $_size__tile_overlayer_lowered;
	s6 =	simm.s32 $_tile_overlayer_lowered  }
0x9b: {  	s22 =	simm.s32 $0x1BFF;
	s21 =	sshll.u32 s6, $0x1;
	s3 =	sadd.s32 s4, s19  }
0x9c: {  	s7 =	simm.s32 $0x0;
	s20 =	sshll.u32 s5, $0x1;
	s5 =	sadd.s32 s21, s3  }
0x9d: {  	[timem:s7], [sflag:s22] =	dma.local [hbm:s5], s20  }
0x9e: {  	_ =	swait.ge [sflag:s22], s20  }
0x9f: {  	s4 =	ssub.s32 $0x0, s20;
	[sflag:s22] =	ssyncset.done $0x0  }
0xa0: {  	[sflag:s22] =	ssyncadd.s32 s4;
	_ =	sdelay $0x1  }
0xa1: {  	s23 =	simm.s32 $0x1B8B  }
0xa2: {  	_ =	swait.ge [sflag:s23], $0x1  }
0xa3: {  	[sflag:s23] =	ssyncset.done $0x0  }
0xa4: {  	s25 =	simm.s32 $0x1B8E;
	s24 =	sld [smem:$0x3FFE];
	[sflag:s23] =	ssyncadd.s32 $0xFFFFFFFF  }
0xa5: {  	s26 =	simm.s32 $execute0_lowered;
	[smem:$0x3FD2] =	sst s25  }
0xa6: {  	s5 =	sshll.u32 s26, $0x1;
	_ =	strace $0x80000046;
	[dreg:$0x1] =	wrdreg $0xFFFFFFFF  }
0xa7: {  	s28 =	simm.s32 $_size_execute0_lowered;
	s3 =	sadd.s32 s3, s5;
	[dreg:$0x0] =	wrdreg $0x0  }
0xa8: {  	s5 =	sshll.u32 s28, $0x1;
	[dreg:$0x2] =	wrdreg s3  }
0xa9: {  	[dreg:$0x3] =	wrdreg s5  }
0xaa: {  	[dreg:$0x4] =	wrdreg $0xC0  }
0xab: {  	_ =	task [dreg:s7], $0x5FFFF  }
0xac: {  	[dreg:$0x1] =	wrdreg $0xFFFFFFFF  }
0xad: {  	[dreg:$0x0] =	wrdreg $0x60  }
0xae: {  	[dreg:$0x2] =	wrdreg s2  }
0xaf: {  	[dreg:$0x3] =	wrdreg s24  }
0xb0: {  	[dreg:$0x4] =	wrdreg $0x9  }
0xb1: {  	_ =	task.clear_ibuf [dreg:s7], $0x5FFFF;
	_ =	strace $0x90000046  }
0xb2: {  	s29 =	simm.s32 $0x9;
	_ =	strace $0x80000048  }
0xb3: {  	_ =	swait.ge [sflag:s29], $0x1  }
0xb4: {  	[sflag:s29] =	ssyncadd.s32 $0xFFFFFFFF  }
0xb5: {  	_ =	strace $0x90000048  }
0xb6: {  	_ =	sfence  }
0xb7: {  	s30 =	sld [smem:$0x0];
	_ =	sdelay $0x2  }
0xb8: {  	s31 =	sshll.u32 s1, $0xD;
	s1 =	sshrl.u32 s1, $0x2  }
0xb9: {  	s3 =	sand.u32 $0x4000, s31;
	s1 =	sadd.s32 s1, s30  }
0xba: {  	s0 =	sor.u32 s3, s0;
	s1 =	sshll.u32 s1, $0x11  }
0xbb: {  	s0 =	sor.u32 s1, s0  }
0xbc: {  	s0 =	sadd.s32 $0x8F2B, s0  }
0xbd: {  	[sflag:s0] =	ssyncadd.remote.s32 $0x1  }
0xbe: {  	_ =	sfence.sel $0xFFFF  }
0xbf: {  	[dreg:$0x0] =	wrdreg $0xFFFFFFFF;
	(pc) =	sbr.abs _section_cstart, $3  }
0xc0: {  	[dreg:$0x1] =	wrdreg $0xFFFFFFFF  }
0xc1: {  	_ =	task.clear_ibuf [dreg:s7], $0x2FFFF;
	_ =	strace $0x9FFFFFFF  }
0xc2: {  	(tm) =	ssettm $0x7FFFFFFF  }
0xc3: {  	_ =	shalt  }
tec
execute0_lowered:
.L_overlay_start_1:
0x0: {  	(tag) =	ssettag $0x1  }
0x1: {  	s4 =	rddreg [dreg:$0x0]  }
0x2: {  	s0 =	rddreg [dreg:$0x1]  }
0x3: {  	s3 =	srdreg.scid;
	s1 =	stileid.u32;
	s2 =	simm.s32 $0x0  }
0x4: {  	s5 =	sand.u32 $0x1, s3;
	s6 =	smul.u32 $0x700000, s1;
	[smem:$0x7FF] =	sst s2  }
0x5: {  	s3 =	sadd.s32 $0xF42E00, s0;
	s8 =	sshll.u32 s1, $0x1;
	s1 =	smul.u32 $0xE0000, s1  }
0x6: {  	s0 =	sadd.s32 $0xA00, s0;
	s7 =	smul.u32 $0x380000, s5;
	_ =	strace $0x80000047  }
0x7: {  	s22 =	ssub.s32 $0x2, s5;
	s8 =	sor.u32 s5, s8;
	s5 =	smul.u32 $0x70000, s5  }
0x8: {  	s10 =	sshrl.u32 s22, $0x1;
	s8 =	smul.u32 $0xD00, s8;
	s6 =	sadd.s32 s7, s6  }
0x9: {  	s7 =	ssub.s32 s22, s10;
	s10 =	simm.s32 $0x8100;
	s9 =	sor.u32 $0x1A400, s6  }
0xa: {  	s11 =	sor.u32 $0x18800, s6;
	s24 =	sor.u32 $0x16C00, s6;
	s12 =	sor.u32 $0x15000, s6  }
0xb: {  	s29 =	sor.u32 $0x13400, s6;
	s31 =	sor.u32 $0x11800, s6;
	s14 =	sor.u32 $0xA800, s6  }
0xc: {  	s18 =	sor.u32 $0x8C00, s6;
	s20 =	sor.u32 $0x7000, s6;
	s22 =	sadd.s32 s4, s8  }
0xd: {  	s8 =	simm.s32 $0x6800;
	s9 =	sshrl.u32 s9, $0x3;
	s23 =	sshrl.u32 s11, $0x3  }
0xe: {  	s11 =	sshrl.u32 s24, $0x3;
	s26 =	sshrl.u32 s12, $0x3;
	s30 =	sshrl.u32 s29, $0x3  }
0xf: {  	s12 =	sor.u32 $0xC400, s6;
	s16 =	sshrl.u32 s14, $0x3;
	s19 =	sshrl.u32 s18, $0x3  }
0x10: {  	s6 =	sor.u32 $0x5400, s6;
	[dreg:$0x17] =	wrdreg s22;
	s24 =	simm.s32 $0x8D80  }
0x11: {  	s14 =	simm.s32 $0xB300;
	s29 =	simm.s32 $0xF180;
	[dreg:$0x10] =	wrdreg s24  }
0x12: {  	s18 =	simm.s32 $0xCC00;
	s9 =	sadd.s32 s9, s0;
	[dreg:$0x14] =	wrdreg s29  }
0x13: {  	s22 =	simm.s32 $0x3;
	s25 =	sadd.s32 s11, s0;
	[dreg:$0x3] =	wrdreg s9  }
0x14: {  	s28 =	sadd.s32 s26, s0;
	s11 =	sshrl.u32 s31, $0x3;
	[dreg:$0x5] =	wrdreg s25  }
0x15: {  	s13 =	sshrl.u32 s12, $0x3;
	s17 =	sadd.s32 s16, s0;
	[dreg:$0x6] =	wrdreg s28  }
0x16: {  	s6 =	sshrl.u32 s6, $0x3;
	s26 =	simm.s32 $0xBF80;
	[dreg:$0xb] =	wrdreg s17  }
0x17: {  	s12 =	simm.s32 $0x9A00;
	s31 =	simm.s32 $0x12380;
	[dreg:$0x12] =	wrdreg s26  }
0x18: {  	s16 =	simm.s32 $0x40;
	s9 =	sadd.s32 s23, s0;
	[dreg:$0x16] =	wrdreg s31  }
0x19: {  	s24 =	simm.s32 $0x4;
	s2 =	sadd.s32 s11, s0;
	[dreg:$0x4] =	wrdreg s9  }
0x1a: {  	s11 =	sadd.s32 s1, s0;
	s15 =	sadd.s32 s13, s0;
	[dreg:$0x8] =	wrdreg s2  }
0x1b: {  	s23 =	simm.s32 $0x7480;
	s25 =	simm.s32 $0xA680;
	[dreg:$0xa] =	wrdreg s15  }
0x1c: {  	s17 =	simm.s32 $0x80;
	s28 =	simm.s32 $0xD880;
	[dreg:$0xf] =	wrdreg s23  }
0x1d: {  	s9 =	sadd.s32 s30, s0;
	s5 =	sadd.s32 s5, s11;
	[dreg:$0x11] =	wrdreg s25  }
0x1e: {  	s15 =	simm.s32 $0x1;
	[dreg:$0x13] =	wrdreg s28;
	s30 =	simm.s32 $0x10A80  }
0x1f: {  	s23 =	simm.s32 $0x2;
	s25 =	simm.s32 $0x0;
	[dreg:$0x7] =	wrdreg s9  }
0x20: {  	[dreg:$0x9] =	wrdreg s5;
	s5 =	sadd.s32 s19, s0;
	s9 =	sshrl.u32 s20, $0x3  }
0x21: {  	s19 =	simm.s32 $0xE500;
	s20 =	simm.s32 $0xFE00;
	[dreg:$0x15] =	wrdreg s30  }
0x22: {  	[dreg:$0xc] =	wrdreg s5;
	s21 =	sadd.s32 s9, s0;
	s0 =	sadd.s32 s6, s0  }
0x23: {  	s5 =	smax.u32 s7, $0x1;
	s6 =	simm.s32 $0x5;
	[dreg:$0xd] =	wrdreg s21  }
0x24: {  	s7 =	simm.s32 $0x64;
	[dreg:$0xe] =	wrdreg s0;
	s21 =	simm.s32 $0x11700  }
.LBB2_1:
0x25: {  	s0 =	simm.s32 $0x0;
	s1 =	rddreg [dreg:$0x17]  }
0x26: {  	[tilespmem:s0], [sflag:$0x5] =	stream.linear.gather [hbm4b:s1+s0], $0x6800, $0x38;
	[tilespmem:$0x13000] =	vst v63  }
0x27: {  	_ =	swait.ge [sflag:s6], $0x6800  }
0x28: {  	[sflag:s6] =	ssyncset.done $0x0  }
0x29: {  	[sflag:s6] =	ssyncadd.s32 $0xFFFF9800  }
0x2a: {  	[tilespmem:s8], [sflag:$0x1] =	stream.indirect.gather [hbm4b:s3+s7], $0x40, s0, s7, $0xb8;
	[tilespmem:$0x13000] =	vst v63  }
0x2b: {  	s2 =	simm.s32 $0x68  }
0x2c: {  	[tilespmem:s10], [sflag:$0x1] =	stream.indirect.gather [hbm4b:s3+s7], $0x40, s2, s7, $0xb8;
	[tilespmem:$0x13000] =	vst v63  }
0x2d: {  	s4 =	simm.s32 $0xD0  }
0x2e: {  	[tilespmem:s12], [sflag:$0x1] =	stream.indirect.gather [hbm4b:s3+s7], $0x40, s4, s7, $0xb8;
	[tilespmem:$0x13000] =	vst v63  }
0x2f: {  	s9 =	simm.s32 $0x138  }
0x30: {  	[tilespmem:s14], [sflag:$0x1] =	stream.indirect.gather [hbm4b:s3+s7], $0x40, s9, s7, $0xb8;
	[tilespmem:$0x13000] =	vst v63  }
0x31: {  	_ =	swait.ge [sflag:s15], $0x1900  }
0x32: {  	[sflag:s15] =	ssyncset.done $0x0  }
0x33: {  	[sflag:s15] =	ssyncadd.s32 $0xFFFFE700  }
0x34: {  	_ =	swait.ge [sflag:s15], $0x1900  }
0x35: {  	[sflag:s15] =	ssyncset.done $0x0  }
0x36: {  	[sflag:s15] =	ssyncadd.s32 $0xFFFFE700  }
0x37: {  	_ =	swait.ge [sflag:s15], $0x1900  }
0x38: {  	[sflag:s15] =	ssyncset.done $0x0  }
0x39: {  	[sflag:s15] =	ssyncadd.s32 $0xFFFFE700  }
0x3a: {  	_ =	swait.ge [sflag:s15], $0x1900  }
0x3b: {  	s11 =	rddreg [dreg:$0x9]  }
0x3c: {  	s26 =	rddreg [dreg:$0xb];
	[sflag:s15] =	ssyncset.done $0x0  }
0x3d: {  	s29 =	rddreg [dreg:$0xd];
	[sflag:s15] =	ssyncadd.s32 $0xFFFFE700;
	s28 =	sadd.s32 $0x0, s11  }
0x3e: {  	[hbm4b:s28+s16] =	stream.strided.scatter [tilespmem:s8], [sflag:$0x3], $0xC80, s17, s16, $0x38;
	[tilespmem:$0x13000] =	vst v63  }
0x3f: {  	s13 =	rddreg [dreg:$0xf];
	s30 =	sadd.s32 $0x380, s28  }
0x40: {  	[hbm4b:s30+s16] =	stream.strided.scatter [tilespmem:s13], [sflag:$0x3], $0xC80, s17, s16, $0x38;
	[tilespmem:$0x13000] =	vst v63  }
0x41: {  	s31 =	rddreg [dreg:$0xe];
	s1 =	sadd.s32 $0x700, s28  }
0x42: {  	[hbm4b:s1+s16] =	stream.strided.scatter [tilespmem:s10], [sflag:$0x3], $0xC80, s17, s16, $0x38;
	[tilespmem:$0x13000] =	vst v63  }
0x43: {  	s2 =	sadd.s32 $0x0, s31;
	s30 =	rddreg [dreg:$0x10]  }
0x44: {  	[hbm4b:s2+s16] =	stream.strided.scatter [tilespmem:s30], [sflag:$0x3], $0xC80, s17, s16, $0x38;
	[tilespmem:$0x13000] =	vst v63  }
0x45: {  	s31 =	rddreg [dreg:$0xc];
	s4 =	sadd.s32 $0x0, s29  }
0x46: {  	[hbm4b:s4+s16] =	stream.strided.scatter [tilespmem:s12], [sflag:$0x3], $0xC80, s17, s16, $0x38;
	[tilespmem:$0x13000] =	vst v63  }
0x47: {  	s29 =	rddreg [dreg:$0x11];
	s9 =	sadd.s32 $0x0, s31  }
0x48: {  	[hbm4b:s9+s16] =	stream.strided.scatter [tilespmem:s29], [sflag:$0x3], $0xC80, s17, s16, $0x38;
	[tilespmem:$0x13000] =	vst v63  }
0x49: {  	p0 =	por $0x1, $0x1;
	s11 =	sadd.s32 $0x0, s26;
	s30 =	rddreg [dreg:$0xa]  }
0x4a: {  	[hbm4b:s11+s16] =	stream.strided.scatter [tilespmem:s14], [sflag:$0x3], $0xC80, s17, s16, $0x38;
	[tilespmem:$0x13000] =	vst v63  }
0x4b: {  	s0 =	simm.s32 @!p0 $0x4;
	s13 =	rddreg [dreg:$0x12];
	s1 =	sadd.s32 $0x0, s30  }
0x4c: {  	[hbm4b:s1+s16] =	stream.strided.scatter [tilespmem:s13], [sflag:$0x3], $0xC80, s17, s16, $0x38;
	[tilespmem:$0x13000] =	vst v63  }
0x4d: {  	_ =	swait.ge @!p0 [sflag:s0], $0xC80  }
0x4e: {  	[sflag:s0] =	ssyncset.done @!p0 $0x0  }
0x4f: {  	[sflag:s0] =	ssyncadd.s32 @!p0 $0xFFFFF380  }
0x50: {  	_ =	swait.ge @!p0 [sflag:s0], $0xC80  }
0x51: {  	[sflag:s0] =	ssyncset.done @!p0 $0x0  }
0x52: {  	[sflag:s0] =	ssyncadd.s32 @!p0 $0xFFFFF380  }
0x53: {  	_ =	swait.ge @!p0 [sflag:s0], $0xC80  }
0x54: {  	[sflag:s0] =	ssyncset.done @!p0 $0x0  }
0x55: {  	[sflag:s0] =	ssyncadd.s32 @!p0 $0xFFFFF380  }
0x56: {  	_ =	swait.ge @!p0 [sflag:s0], $0xC80  }
0x57: {  	[sflag:s0] =	ssyncset.done @!p0 $0x0  }
0x58: {  	[sflag:s0] =	ssyncadd.s32 @!p0 $0xFFFFF380  }
0x59: {  	_ =	swait.ge @!p0 [sflag:s0], $0xC80  }
0x5a: {  	[sflag:s0] =	ssyncset.done @!p0 $0x0  }
0x5b: {  	[sflag:s0] =	ssyncadd.s32 @!p0 $0xFFFFF380  }
0x5c: {  	_ =	swait.ge @!p0 [sflag:s0], $0xC80  }
0x5d: {  	[sflag:s0] =	ssyncset.done @!p0 $0x0  }
0x5e: {  	[sflag:s0] =	ssyncadd.s32 @!p0 $0xFFFFF380  }
0x5f: {  	_ =	swait.ge @!p0 [sflag:s0], $0xC80  }
0x60: {  	[sflag:s0] =	ssyncset.done @!p0 $0x0  }
0x61: {  	[sflag:s0] =	ssyncadd.s32 @!p0 $0xFFFFF380  }
0x62: {  	_ =	swait.ge @!p0 [sflag:s0], $0xC80  }
0x63: {  	[sflag:s0] =	ssyncset.done @!p0 $0x0  }
0x64: {  	s2 =	simm.s32 $0x1A0;
	[sflag:s0] =	ssyncadd.s32 @!p0 $0xFFFFF380  }
0x65: {  	[tilespmem:s18], [sflag:$0x2] =	stream.indirect.gather [hbm4b:s3+s7], $0x40, s2, s7, $0xb8;
	[tilespmem:$0x13000] =	vst v63  }
0x66: {  	s4 =	simm.s32 $0x208  }
0x67: {  	[tilespmem:s19], [sflag:$0x2] =	stream.indirect.gather [hbm4b:s3+s7], $0x40, s4, s7, $0xb8;
	[tilespmem:$0x13000] =	vst v63  }
0x68: {  	s9 =	simm.s32 $0x270  }
0x69: {  	[tilespmem:s20], [sflag:$0x2] =	stream.indirect.gather [hbm4b:s3+s7], $0x40, s9, s7, $0xb8;
	[tilespmem:$0x13000] =	vst v63  }
0x6a: {  	s11 =	simm.s32 $0x2D8  }
0x6b: {  	[tilespmem:s21], [sflag:$0x2] =	stream.indirect.gather [hbm4b:s3+s7], $0x40, s11, s7, $0xb8;
	[tilespmem:$0x13000] =	vst v63  }
0x6c: {  	_ =	swait.ge [sflag:s22], $0xC80  }
0x6d: {  	[sflag:s22] =	ssyncset.done $0x0  }
0x6e: {  	[sflag:s22] =	ssyncadd.s32 $0xFFFFF380  }
0x6f: {  	_ =	swait.ge [sflag:s22], $0xC80  }
0x70: {  	[sflag:s22] =	ssyncset.done $0x0  }
0x71: {  	[sflag:s22] =	ssyncadd.s32 $0xFFFFF380  }
0x72: {  	_ =	swait.ge [sflag:s22], $0xC80  }
0x73: {  	[sflag:s22] =	ssyncset.done $0x0  }
0x74: {  	[sflag:s22] =	ssyncadd.s32 $0xFFFFF380  }
0x75: {  	_ =	swait.ge [sflag:s22], $0xC80  }
0x76: {  	[sflag:s22] =	ssyncset.done $0x0  }
0x77: {  	[sflag:s22] =	ssyncadd.s32 $0xFFFFF380  }
0x78: {  	_ =	swait.ge [sflag:s22], $0xC80  }
0x79: {  	[sflag:s22] =	ssyncset.done $0x0  }
0x7a: {  	[sflag:s22] =	ssyncadd.s32 $0xFFFFF380  }
0x7b: {  	_ =	swait.ge [sflag:s22], $0xC80  }
0x7c: {  	[sflag:s22] =	ssyncset.done $0x0  }
0x7d: {  	[sflag:s22] =	ssyncadd.s32 $0xFFFFF380  }
0x7e: {  	_ =	swait.ge [sflag:s22], $0xC80  }
0x7f: {  	[sflag:s22] =	ssyncset.done $0x0  }
0x80: {  	[sflag:s22] =	ssyncadd.s32 $0xFFFFF380  }
0x81: {  	p0 =	por $0x0, $0x0;
	_ =	swait.ge [sflag:s22], $0xC80  }
0x82: {  	s0 =	simm.s32 @!p0 $0x340;
	[sflag:s22] =	ssyncset.done $0x0  }
0x83: {  	s29 =	simm.s32 @!p0 $0x64;
	s26 =	simm.s32 @!p0 $0x6800;
	[sflag:s22] =	ssyncadd.s32 $0xFFFFF380  }
0x84: {  	[tilespmem:s26], [sflag:$0x1] =	stream.indirect.gather @!p0 [hbm4b:s3+s29], $0x40, s0, s29, $0xb8;
	[tilespmem:$0x13000] =	vst v63  }
0x85: {  	s0 =	simm.s32 @!p0 $0x3A8;
	s26 =	simm.s32 @!p0 $0x8100  }
0x86: {  	[tilespmem:s26], [sflag:$0x1] =	stream.indirect.gather @!p0 [hbm4b:s3+s29], $0x40, s0, s29, $0xb8;
	[tilespmem:$0x13000] =	vst v63  }
0x87: {  	s0 =	simm.s32 @!p0 $0x410;
	s26 =	simm.s32 @!p0 $0x9A00  }
0x88: {  	[tilespmem:s26], [sflag:$0x1] =	stream.indirect.gather @!p0 [hbm4b:s3+s29], $0x40, s0, s29, $0xb8;
	[tilespmem:$0x13000] =	vst v63  }
0x89: {  	s26 =	simm.s32 $0x478;
	s0 =	simm.s32 @!p0 $0xB300  }
0x8a: {  	[tilespmem:s0], [sflag:$0x1] =	stream.indirect.gather @!p0 [hbm4b:s3+s29], $0x40, s26, s29, $0xb8;
	[tilespmem:$0x13000] =	vst v63  }
0x8b: {  	_ =	swait.ge [sflag:s23], $0x1900  }
0x8c: {  	[sflag:s23] =	ssyncset.done $0x0  }
0x8d: {  	[sflag:s23] =	ssyncadd.s32 $0xFFFFE700  }
0x8e: {  	_ =	swait.ge [sflag:s23], $0x1900  }
0x8f: {  	[sflag:s23] =	ssyncset.done $0x0  }
0x90: {  	[sflag:s23] =	ssyncadd.s32 $0xFFFFE700  }
0x91: {  	_ =	swait.ge [sflag:s23], $0x1900  }
0x92: {  	[sflag:s23] =	ssyncset.done $0x0  }
0x93: {  	[sflag:s23] =	ssyncadd.s32 $0xFFFFE700  }
0x94: {  	s30 =	sadd.s32 $0x1F80, s28;
	s13 =	sadd.s32 $0x1C00, s28;
	_ =	swait.ge [sflag:s23], $0x1900  }
0x95: {  	s28 =	simm.s32 $0x0;
	[sflag:s23] =	ssyncset.done $0x0;
	s31 =	rddreg [dreg:$0x8]  }
0x96: {  	s29 =	simm.s32 $0x3800;
	s0 =	rddreg [dreg:$0x13];
	[sflag:s23] =	ssyncadd.s32 $0xFFFFE700  }
0x97: {  	[hbm4b:s13+s16] =	stream.strided.scatter [tilespmem:s18], [sflag:$0x4], $0xC80, s17, s16, $0x38;
	[tilespmem:$0x13000] =	vst v63  }
.LBB2_2:
0x98: {  	s1 =	rddreg [dreg:$0x7]  }
0x99: {  	s11 =	rddreg [dreg:$0x6]  }
0x9a: {  	[hbm4b:s30+s16] =	stream.strided.scatter [tilespmem:s0], [sflag:$0x4], $0xC80, s17, s16, $0x38;
	[tilespmem:$0x13000] =	vst v63  }
0x9b: {  	s31 =	sadd.s32 s28, s31;
	s13 =	rddreg [dreg:$0x14]  }
0x9c: {  	[hbm4b:s31+s16] =	stream.strided.scatter [tilespmem:s19], [sflag:$0x4], $0xC80, s17, s16, $0x38;
	[tilespmem:$0x13000] =	vst v63  }
0x9d: {  	s4 =	rddreg [dreg:$0x5];
	s2 =	sadd.s32 s28, s1  }
0x9e: {  	[hbm4b:s2+s16] =	stream.strided.scatter [tilespmem:s13], [sflag:$0x4], $0xC80, s17, s16, $0x38;
	[tilespmem:$0x13000] =	vst v63  }
0x9f: {  	s30 =	rddreg [dreg:$0x4];
	s11 =	sadd.s32 s28, s11  }
0xa0: {  	[hbm4b:s11+s16] =	stream.strided.scatter [tilespmem:s20], [sflag:$0x4], $0xC80, s17, s16, $0x38;
	[tilespmem:$0x13000] =	vst v63  }
0xa1: {  	s13 =	rddreg [dreg:$0x15];
	s2 =	sadd.s32 s28, s4  }
0xa2: {  	[hbm4b:s2+s16] =	stream.strided.scatter [tilespmem:s13], [sflag:$0x4], $0xC80, s17, s16, $0x38;
	[tilespmem:$0x13000] =	vst v63  }
0xa3: {  	s4 =	rddreg [dreg:$0x3];
	s11 =	sadd.s32 s28, s30  }
0xa4: {  	[hbm4b:s11+s16] =	stream.strided.scatter [tilespmem:s21], [sflag:$0x4], $0xC80, s17, s16, $0x38;
	[tilespmem:$0x13000] =	vst v63  }
0xa5: {  	s13 =	rddreg [dreg:$0x16];
	s2 =	sadd.s32 s28, s4  }
0xa6: {  	[hbm4b:s2+s16] =	stream.strided.scatter [tilespmem:s13], [sflag:$0x4], $0xC80, s17, s16, $0x38;
	[tilespmem:$0x13000] =	vst v63  }
0xa7: {  	_ =	swait.ge [sflag:s15], $0x1900  }
0xa8: {  	[sflag:s15] =	ssyncset.done $0x0  }
0xa9: {  	[sflag:s15] =	ssyncadd.s32 $0xFFFFE700  }
0xaa: {  	_ =	swait.ge [sflag:s15], $0x1900  }
0xab: {  	[sflag:s15] =	ssyncset.done $0x0  }
0xac: {  	[sflag:s15] =	ssyncadd.s32 $0xFFFFE700  }
0xad: {  	_ =	swait.ge [sflag:s15], $0x1900  }
0xae: {  	[sflag:s15] =	ssyncset.done $0x0  }
0xaf: {  	[sflag:s15] =	ssyncadd.s32 $0xFFFFE700  }
0xb0: {  	_ =	swait.ge [sflag:s15], $0x1900  }
0xb1: {  	s9 =	smov.u32 s29;
	s4 =	rddreg [dreg:$0x9]  }
0xb2: {  	s28 =	smov.u32 s9;
	s1 =	rddreg [dreg:$0xb];
	[sflag:s15] =	ssyncset.done $0x0  }
0xb3: {  	s9 =	rddreg [dreg:$0xd];
	[sflag:s15] =	ssyncadd.s32 $0xFFFFE700;
	s30 =	sadd.s32 s28, s4  }
0xb4: {  	[hbm4b:s30+s16] =	stream.strided.scatter [tilespmem:s8], [sflag:$0x3], $0xC80, s17, s16, $0x38;
	[tilespmem:$0x13000] =	vst v63  }
0xb5: {  	s11 =	rddreg [dreg:$0xf];
	s13 =	sadd.s32 $0x380, s30  }
0xb6: {  	[hbm4b:s13+s16] =	stream.strided.scatter [tilespmem:s11], [sflag:$0x3], $0xC80, s17, s16, $0x38;
	[tilespmem:$0x13000] =	vst v63  }
0xb7: {  	s2 =	rddreg [dreg:$0xe];
	s4 =	sadd.s32 $0x700, s30  }
0xb8: {  	[hbm4b:s4+s16] =	stream.strided.scatter [tilespmem:s10], [sflag:$0x3], $0xC80, s17, s16, $0x38;
	[tilespmem:$0x13000] =	vst v63  }
0xb9: {  	s2 =	sadd.s32 s28, s2;
	s11 =	rddreg [dreg:$0x10]  }
0xba: {  	[hbm4b:s2+s16] =	stream.strided.scatter [tilespmem:s11], [sflag:$0x3], $0xC80, s17, s16, $0x38;
	[tilespmem:$0x13000] =	vst v63  }
0xbb: {  	s9 =	sadd.s32 s28, s9;
	s4 =	rddreg [dreg:$0xc]  }
0xbc: {  	[hbm4b:s9+s16] =	stream.strided.scatter [tilespmem:s12], [sflag:$0x3], $0xC80, s17, s16, $0x38;
	[tilespmem:$0x13000] =	vst v63  }
0xbd: {  	s13 =	sadd.s32 s28, s4;
	s11 =	rddreg [dreg:$0x11]  }
0xbe: {  	[hbm4b:s13+s16] =	stream.strided.scatter [tilespmem:s11], [sflag:$0x3], $0xC80, s17, s16, $0x38;
	[tilespmem:$0x13000] =	vst v63  }
0xbf: {  	p1 =	seq.s32 s28, $0x0;
	s4 =	sadd.s32 s28, s1;
	s2 =	rddreg [dreg:$0xa]  }
0xc0: {  	[hbm4b:s4+s16] =	stream.strided.scatter [tilespmem:s14], [sflag:$0x3], $0xC80, s17, s16, $0x38;
	[tilespmem:$0x13000] =	vst v63  }
0xc1: {  	s0 =	simm.s32 @!p1 $0x4;
	s9 =	rddreg [dreg:$0x12];
	s13 =	sadd.s32 s28, s2  }
0xc2: {  	[hbm4b:s13+s16] =	stream.strided.scatter [tilespmem:s9], [sflag:$0x3], $0xC80, s17, s16, $0x38;
	[tilespmem:$0x13000] =	vst v63  }
0xc3: {  	_ =	swait.ge @!p1 [sflag:s0], $0xC80  }
0xc4: {  	[sflag:s0] =	ssyncset.done @!p1 $0x0  }
0xc5: {  	[sflag:s0] =	ssyncadd.s32 @!p1 $0xFFFFF380  }
0xc6: {  	_ =	swait.ge @!p1 [sflag:s0], $0xC80  }
0xc7: {  	[sflag:s0] =	ssyncset.done @!p1 $0x0  }
0xc8: {  	[sflag:s0] =	ssyncadd.s32 @!p1 $0xFFFFF380  }
0xc9: {  	_ =	swait.ge @!p1 [sflag:s0], $0xC80  }
0xca: {  	[sflag:s0] =	ssyncset.done @!p1 $0x0  }
0xcb: {  	[sflag:s0] =	ssyncadd.s32 @!p1 $0xFFFFF380  }
0xcc: {  	_ =	swait.ge @!p1 [sflag:s0], $0xC80  }
0xcd: {  	[sflag:s0] =	ssyncset.done @!p1 $0x0  }
0xce: {  	[sflag:s0] =	ssyncadd.s32 @!p1 $0xFFFFF380  }
0xcf: {  	_ =	swait.ge @!p1 [sflag:s0], $0xC80  }
0xd0: {  	[sflag:s0] =	ssyncset.done @!p1 $0x0  }
0xd1: {  	[sflag:s0] =	ssyncadd.s32 @!p1 $0xFFFFF380  }
0xd2: {  	_ =	swait.ge @!p1 [sflag:s0], $0xC80  }
0xd3: {  	[sflag:s0] =	ssyncset.done @!p1 $0x0  }
0xd4: {  	[sflag:s0] =	ssyncadd.s32 @!p1 $0xFFFFF380  }
0xd5: {  	_ =	swait.ge @!p1 [sflag:s0], $0xC80  }
0xd6: {  	[sflag:s0] =	ssyncset.done @!p1 $0x0  }
0xd7: {  	[sflag:s0] =	ssyncadd.s32 @!p1 $0xFFFFF380  }
0xd8: {  	_ =	swait.ge @!p1 [sflag:s0], $0xC80  }
0xd9: {  	s26 =	sadd.s32 $0x340, s26;
	[sflag:s0] =	ssyncset.done @!p1 $0x0  }
0xda: {  	s2 =	sadd.s32 $0xFFFFFD28, s26;
	[sflag:s0] =	ssyncadd.s32 @!p1 $0xFFFFF380  }
0xdb: {  	[tilespmem:s18], [sflag:$0x2] =	stream.indirect.gather [hbm4b:s3+s7], $0x40, s2, s7, $0xb8;
	[tilespmem:$0x13000] =	vst v63  }
0xdc: {  	s4 =	sadd.s32 $0xFFFFFD90, s26  }
0xdd: {  	[tilespmem:s19], [sflag:$0x2] =	stream.indirect.gather [hbm4b:s3+s7], $0x40, s4, s7, $0xb8;
	[tilespmem:$0x13000] =	vst v63  }
0xde: {  	s9 =	sadd.s32 $0xFFFFFDF8, s26  }
0xdf: {  	[tilespmem:s20], [sflag:$0x2] =	stream.indirect.gather [hbm4b:s3+s7], $0x40, s9, s7, $0xb8;
	[tilespmem:$0x13000] =	vst v63  }
0xe0: {  	s11 =	sadd.s32 $0xFFFFFE60, s26  }
0xe1: {  	[tilespmem:s21], [sflag:$0x2] =	stream.indirect.gather [hbm4b:s3+s7], $0x40, s11, s7, $0xb8;
	[tilespmem:$0x13000] =	vst v63  }
0xe2: {  	_ =	swait.ge [sflag:s22], $0xC80  }
0xe3: {  	[sflag:s22] =	ssyncset.done $0x0  }
0xe4: {  	[sflag:s22] =	ssyncadd.s32 $0xFFFFF380  }
0xe5: {  	_ =	swait.ge [sflag:s22], $0xC80  }
0xe6: {  	[sflag:s22] =	ssyncset.done $0x0  }
0xe7: {  	[sflag:s22] =	ssyncadd.s32 $0xFFFFF380  }
0xe8: {  	_ =	swait.ge [sflag:s22], $0xC80  }
0xe9: {  	[sflag:s22] =	ssyncset.done $0x0  }
0xea: {  	[sflag:s22] =	ssyncadd.s32 $0xFFFFF380  }
0xeb: {  	_ =	swait.ge [sflag:s22], $0xC80  }
0xec: {  	[sflag:s22] =	ssyncset.done $0x0  }
0xed: {  	[sflag:s22] =	ssyncadd.s32 $0xFFFFF380  }
0xee: {  	_ =	swait.ge [sflag:s22], $0xC80  }
0xef: {  	[sflag:s22] =	ssyncset.done $0x0  }
0xf0: {  	[sflag:s22] =	ssyncadd.s32 $0xFFFFF380  }
0xf1: {  	_ =	swait.ge [sflag:s22], $0xC80  }
0xf2: {  	[sflag:s22] =	ssyncset.done $0x0  }
0xf3: {  	[sflag:s22] =	ssyncadd.s32 $0xFFFFF380  }
0xf4: {  	_ =	swait.ge [sflag:s22], $0xC80  }
0xf5: {  	[sflag:s22] =	ssyncset.done $0x0  }
0xf6: {  	[sflag:s22] =	ssyncadd.s32 $0xFFFFF380  }
0xf7: {  	p1 =	seq.s32 s28, $0x6C800;
	_ =	swait.ge [sflag:s22], $0xC80  }
0xf8: {  	s0 =	sadd.s32 @!p1 $0xFFFFFEC8, s26;
	[sflag:s22] =	ssyncset.done $0x0  }
0xf9: {  	s1 =	simm.s32 @!p1 $0x64;
	s9 =	simm.s32 @!p1 $0x6800;
	[sflag:s22] =	ssyncadd.s32 $0xFFFFF380  }
0xfa: {  	[tilespmem:s9], [sflag:$0x1] =	stream.indirect.gather @!p1 [hbm4b:s3+s1], $0x40, s0, s1, $0xb8;
	[tilespmem:$0x13000] =	vst v63  }
0xfb: {  	s13 =	simm.s32 @!p1 $0x8100;
	s11 =	sadd.s32 @!p1 $0xFFFFFF30, s26  }
0xfc: {  	[tilespmem:s13], [sflag:$0x1] =	stream.indirect.gather @!p1 [hbm4b:s3+s1], $0x40, s11, s1, $0xb8;
	[tilespmem:$0x13000] =	vst v63  }
0xfd: {  	s31 =	sadd.s32 @!p1 $0xFFFFFF98, s26;
	s2 =	simm.s32 @!p1 $0x9A00  }
0xfe: {  	[tilespmem:s2], [sflag:$0x1] =	stream.indirect.gather @!p1 [hbm4b:s3+s1], $0x40, s31, s1, $0xb8;
	[tilespmem:$0x13000] =	vst v63  }
0xff: {  	s4 =	simm.s32 @!p1 $0xB300  }
0x100: {  	[tilespmem:s4], [sflag:$0x1] =	stream.indirect.gather @!p1 [hbm4b:s3+s1], $0x40, s26, s1, $0xb8;
	[tilespmem:$0x13000] =	vst v63  }
0x101: {  	_ =	swait.ge [sflag:s23], $0x1900  }
0x102: {  	[sflag:s23] =	ssyncset.done $0x0  }
0x103: {  	[sflag:s23] =	ssyncadd.s32 $0xFFFFE700  }
0x104: {  	_ =	swait.ge [sflag:s23], $0x1900  }
0x105: {  	[sflag:s23] =	ssyncset.done $0x0  }
0x106: {  	[sflag:s23] =	ssyncadd.s32 $0xFFFFE700  }
0x107: {  	s29 =	sadd.s32 $0x3800, s29;
	_ =	swait.ge [sflag:s23], $0x1900  }
0x108: {  	p0 =	sne.s32 s29, $0x70000;
	[sflag:s23] =	ssyncset.done $0x0  }
.Ltmp0:
0x109: {  	[sflag:s23] =	ssyncadd.s32 $0xFFFFE700;
	(pc) =	sbr.rel @p0 .LBB2_2-.Ltmp0, $4  }
0x10a: {  	_ =	swait.ge [sflag:s23], $0x1900  }
0x10b: {  	s13 =	sadd.s32 $0x1C00, s30;
	[sflag:s23] =	ssyncset.done $0x0;
	s31 =	rddreg [dreg:$0x8]  }
0x10c: {  	s30 =	sadd.s32 $0x1F80, s30;
	s0 =	rddreg [dreg:$0x13];
	[sflag:s23] =	ssyncadd.s32 $0xFFFFE700  }
0x10d: {  	[hbm4b:s13+s16] =	stream.strided.scatter [tilespmem:s18], [sflag:$0x4], $0xC80, s17, s16, $0x38;
	[tilespmem:$0x13000] =	vst v63  }
0x10e: {  	s1 =	rddreg [dreg:$0x7]  }
0x10f: {  	s2 =	rddreg [dreg:$0x6]  }
0x110: {  	[hbm4b:s30+s16] =	stream.strided.scatter [tilespmem:s0], [sflag:$0x4], $0xC80, s17, s16, $0x38;
	[tilespmem:$0x13000] =	vst v63  }
0x111: {  	s4 =	rddreg [dreg:$0x14];
	s29 =	sadd.s32 s28, s31  }
0x112: {  	[hbm4b:s29+s16] =	stream.strided.scatter [tilespmem:s19], [sflag:$0x4], $0xC80, s17, s16, $0x38;
	[tilespmem:$0x13000] =	vst v63  }
0x113: {  	s9 =	rddreg [dreg:$0x5];
	s30 =	sadd.s32 s28, s1  }
0x114: {  	[hbm4b:s30+s16] =	stream.strided.scatter [tilespmem:s4], [sflag:$0x4], $0xC80, s17, s16, $0x38;
	[tilespmem:$0x13000] =	vst v63  }
0x115: {  	s31 =	rddreg [dreg:$0x4];
	s4 =	sadd.s32 s28, s2  }
0x116: {  	[hbm4b:s4+s16] =	stream.strided.scatter [tilespmem:s20], [sflag:$0x4], $0xC80, s17, s16, $0x38;
	[tilespmem:$0x13000] =	vst v63  }
0x117: {  	s11 =	rddreg [dreg:$0x15];
	s13 =	sadd.s32 s28, s9  }
0x118: {  	[hbm4b:s13+s16] =	stream.strided.scatter [tilespmem:s11], [sflag:$0x4], $0xC80, s17, s16, $0x38;
	[tilespmem:$0x13000] =	vst v63  }
0x119: {  	s26 =	rddreg [dreg:$0x3];
	s29 =	sadd.s32 s28, s31  }
0x11a: {  	[hbm4b:s29+s16] =	stream.strided.scatter [tilespmem:s21], [sflag:$0x4], $0xC80, s17, s16, $0x38;
	[tilespmem:$0x13000] =	vst v63  }
0x11b: {  	s31 =	sadd.s32 s28, s26;
	s30 =	rddreg [dreg:$0x16]  }
0x11c: {  	[hbm4b:s31+s16] =	stream.strided.scatter [tilespmem:s30], [sflag:$0x4], $0xC80, s17, s16, $0x38;
	[tilespmem:$0x13000] =	vst v63  }
0x11d: {  	_ =	swait.ge [sflag:s24], $0xC80  }
0x11e: {  	[sflag:s24] =	ssyncset.done $0x0  }
0x11f: {  	[sflag:s24] =	ssyncadd.s32 $0xFFFFF380  }
0x120: {  	_ =	swait.ge [sflag:s24], $0xC80  }
0x121: {  	[sflag:s24] =	ssyncset.done $0x0  }
0x122: {  	[sflag:s24] =	ssyncadd.s32 $0xFFFFF380  }
0x123: {  	_ =	swait.ge [sflag:s24], $0xC80  }
0x124: {  	[sflag:s24] =	ssyncset.done $0x0  }
0x125: {  	[sflag:s24] =	ssyncadd.s32 $0xFFFFF380  }
0x126: {  	_ =	swait.ge [sflag:s24], $0xC80  }
0x127: {  	[sflag:s24] =	ssyncset.done $0x0  }
0x128: {  	[sflag:s24] =	ssyncadd.s32 $0xFFFFF380  }
0x129: {  	_ =	swait.ge [sflag:s24], $0xC80  }
0x12a: {  	[sflag:s24] =	ssyncset.done $0x0  }
0x12b: {  	[sflag:s24] =	ssyncadd.s32 $0xFFFFF380  }
0x12c: {  	_ =	swait.ge [sflag:s24], $0xC80  }
0x12d: {  	[sflag:s24] =	ssyncset.done $0x0  }
0x12e: {  	s25 =	sadd.s32 $0x1, s25;
	[sflag:s24] =	ssyncadd.s32 $0xFFFFF380  }
0x12f: {  	p0 =	sne.s32 s25, s5;
	_ =	swait.ge [sflag:s24], $0xC80  }
.Ltmp1:
0x130: {  	[sflag:s24] =	ssyncset.done $0x0;
	(pc) =	sbr.rel @p0 .LBB2_1-.Ltmp1, $4  }
0x131: {  	[sflag:s24] =	ssyncadd.s32 $0xFFFFF380  }
0x132: {  	_ =	swait.ge [sflag:s24], $0xC80  }
0x133: {  	[sflag:s24] =	ssyncset.done $0x0  }
0x134: {  	[sflag:s24] =	ssyncadd.s32 $0xFFFFF380  }
0x135: {  	_ =	sfence.sel $0x180000  }
0x136: {  	[bflag:$0x0] =	sbarrier.arrive $0xFFFF  }
0x137: {  	_ =	strace $0x90000047  }
0x138: {  	s0 =	stileid.u32;
	[bflag:$0x2] =	sbarrier.arrive $0xFFFF  }
0x139: {  	p0 =	sne.s32 s0, $0x0;
	s0 =	rddreg [dreg:$0x2]  }
0x13a: {  	s0 =	sadd.s32 @!p0 $0x100000, s0  }
0x13b: {  	[sflag:s0] =	ssyncadd.tile.s32 @!p0 $0x1;
	_ =	shalt  }
.Lfunc_end2:
_tile_overlayer_lowered:
.L_overlay_start_2:
0x13c: {  	(tag) =	ssettag $0x2  }
0x13d: {  	s0 =	rddreg [dreg:$0x0];
	s2 =	stileid.u32  }
0x13e: {  	s1 =	rddreg [dreg:$0x1];
	p0 =	sne.s32 s2, $0x0  }
0x13f: {  	s3 =	rddreg [dreg:$0x2];
	[bflag:$0x3] =	sbarrier.arrive $0xFFFF;
	s2 =	simm.s32 @!p0 $0x1C05  }
0x140: {  	[timem:s3], [sflag:s2] =	dma.local @!p0 [hbm:s0], s1  }
0x141: {  	s0 =	simm.s32 @!p0 $0x5  }
0x142: {  	_ =	swait.ge @!p0 [sflag:s0], s1  }
0x143: {  	s1 =	ssub.s32 @!p0 $0x0, s1;
	[sflag:s0] =	ssyncset.done @!p0 $0x0  }
0x144: {  	[sflag:s0] =	ssyncadd.s32 @!p0 s1  }
0x145: {  	[bflag:$0x3] =	sbarrier.arrive $0xFFFF  }
0x146: {  	_ =	shalt  }

// kernel: sparse-core-data-format-call.cloned.1.call-start
scs
called_computation_lowered:
.L_overlay_start_0:
0x0: {  	s2 =	sld [smem:$0x3FD9]  }
0x1: {  	s3 =	sld [smem:$0x3FFE];
	_ =	sdelay $0x1  }
0x2: {  	s1 =	srdreg.scid  }
0x3: {  	s0 =	sand.u32 $0x1, s1  }
0x4: {  	s18 =	sshll.u32 s0, $0xA;
	s2 =	sadd.s32 s3, s2  }
0x5: {  	s2 =	sadd.s32 s2, s18  }
0x6: {  	[smem:$0x3FC6] =	sst s2  }
0x7: {  	_ = 	snop  }
0x8: {  	s2 =	sld [smem:$0x3FD0];
	(tm) =	ssettm $0x1  }
0x9: {  	s19 =	sld [smem:$0x3FFB];
	_ =	sdelay $0x3  }
0xa: {  	_ =	strace s19  }
0xb: {  	s3 =	sld [smem:$0x3FFC];
	_ =	sdelay $0x3  }
0xc: {  	_ =	strace s3  }
0xd: {  	s3 =	sld [smem:$0x3FFD];
	_ =	sdelay $0x3  }
0xe: {  	_ =	strace s3  }
0xf: {  	_ =	strace $0x8FFFFFFF  }
0x10: {  	s20 =	sld [smem:$0x3FDB];
	_ =	sdelay $0x1  }
0x11: {  	s4 =	simm.s32 $_scs_section_size  }
0x12: {  	s5 =	simm.s32 $_size__tile_overlayer_lowered;
	s6 =	simm.s32 $_tile_overlayer_lowered  }
0x13: {  	s23 =	simm.s32 $0x1BFF;
	s22 =	sshll.u32 s6, $0x1;
	s3 =	sadd.s32 s4, s20  }
0x14: {  	s7 =	simm.s32 $0x0;
	s21 =	sshll.u32 s5, $0x1;
	s5 =	sadd.s32 s22, s3  }
0x15: {  	[timem:s7], [sflag:s23] =	dma.local [hbm:s5], s21  }
0x16: {  	_ =	swait.ge [sflag:s23], s21  }
0x17: {  	s4 =	ssub.s32 $0x0, s21;
	[sflag:s23] =	ssyncset.done $0x0  }
0x18: {  	[sflag:s23] =	ssyncadd.s32 s4;
	_ =	sdelay $0x1  }
0x19: {  	s24 =	simm.s32 $0x1B8B  }
0x1a: {  	_ =	swait.ge [sflag:s24], $0x1  }
0x1b: {  	[sflag:s24] =	ssyncset.done $0x0  }
0x1c: {  	s26 =	simm.s32 $0x1B8E;
	s25 =	sld [smem:$0x3FFE];
	[sflag:s24] =	ssyncadd.s32 $0xFFFFFFFF  }
0x1d: {  	s27 =	simm.s32 $execute0_lowered;
	[smem:$0x3FD2] =	sst s26  }
0x1e: {  	s5 =	sshll.u32 s27, $0x1;
	_ =	strace $0x80000049;
	[dreg:$0x1] =	wrdreg $0xFFFFFFFF  }
0x1f: {  	s28 =	simm.s32 $_size_execute0_lowered;
	s3 =	sadd.s32 s3, s5;
	[dreg:$0x0] =	wrdreg $0x0  }
0x20: {  	s5 =	sshll.u32 s28, $0x1;
	[dreg:$0x2] =	wrdreg s3  }
0x21: {  	[dreg:$0x3] =	wrdreg s5  }
0x22: {  	[dreg:$0x4] =	wrdreg $0xC0  }
0x23: {  	_ =	task [dreg:s7], $0x5FFFF  }
0x24: {  	[dreg:$0x1] =	wrdreg $0xFFFFFFFF  }
0x25: {  	[dreg:$0x0] =	wrdreg $0x60  }
0x26: {  	[dreg:$0x2] =	wrdreg s25  }
0x27: {  	[dreg:$0x3] =	wrdreg s2  }
0x28: {  	[dreg:$0x4] =	wrdreg $0x9  }
0x29: {  	_ =	task.clear_ibuf [dreg:s7], $0x5FFFF;
	_ =	strace $0x90000049  }
0x2a: {  	s29 =	simm.s32 $0x9;
	_ =	strace $0x8000004B  }
0x2b: {  	_ =	swait.ge [sflag:s29], $0x1  }
0x2c: {  	[sflag:s29] =	ssyncadd.s32 $0xFFFFFFFF  }
0x2d: {  	_ =	strace $0x9000004B  }
0x2e: {  	_ =	sfence  }
0x2f: {  	s30 =	sld [smem:$0x0];
	_ =	sdelay $0x2  }
0x30: {  	s31 =	sshll.u32 s1, $0xD;
	s1 =	sshrl.u32 s1, $0x2  }
0x31: {  	s3 =	sand.u32 $0x4000, s31;
	s1 =	sadd.s32 s1, s30  }
0x32: {  	s0 =	sor.u32 s3, s0;
	s1 =	sshll.u32 s1, $0x11  }
0x33: {  	s0 =	sor.u32 s1, s0  }
0x34: {  	s0 =	sadd.s32 $0x8F2B, s0  }
0x35: {  	[sflag:s0] =	ssyncadd.remote.s32 $0x1  }
0x36: {  	_ =	sfence.sel $0xFFFF  }
0x37: {  	[dreg:$0x0] =	wrdreg $0xFFFFFFFF;
	(pc) =	sbr.abs _section_cstart, $3  }
0x38: {  	[dreg:$0x1] =	wrdreg $0xFFFFFFFF  }
0x39: {  	_ =	task.clear_ibuf [dreg:s7], $0x2FFFF;
	_ =	strace $0x9FFFFFFF  }
0x3a: {  	(tm) =	ssettm $0x7FFFFFFF  }
0x3b: {  	_ =	shalt  }
tec
execute0_lowered:
.L_overlay_start_1:
0x0: {  	(tag) =	ssettag $0x1  }
0x1: {  	s0 =	srdreg.scid  }
0x2: {  	s1 =	sshll.u32 s0, $0x4  }
0x3: {  	s0 =	stileid.u32;
	s1 =	sand.u32 $0x10, s1  }
0x4: {  	s1 =	sor.u32 s0, s1  }
0x5: {  	s6 =	rddreg [dreg:$0x0];
	s4 =	simm.s32 $0x1;
	s2 =	sshll.u32 s1, $0x7  }
0x6: {  	s7 =	simm.s32 $0x2;
	s12 =	simm.s32 $0x0;
	s1 =	ssub.s32 $0x4000, s2  }
0x7: {  	s8 =	simm.s32 $0x20000;
	s13 =	simm.s32 $0x0;
	s3 =	sand.u32 $0xF80, s1  }
0x8: {  	s9 =	simm.s32 $0x0;
	s5 =	sshrl.u32 s1, $0xC;
	p0 =	sne.s32 s3, $0x0  }
.Ltmp0:
0x9: {  	s1 =	rddreg [dreg:$0x2];
	s4 =	simm.s32 @!p0 $0x0;
	(pc) =	sbr.rel .LBB1_1-.Ltmp0, $4  }
0xa: {  	s11 =	simm.s32 $0x0;
	s3 =	rddreg [dreg:$0x1];
	s5 =	sadd.s32 s4, s5  }
0xb: {  	_ =	strace $0x8000004A;
	s4 =	simm.s32 $0x1;
	s5 =	smul.u32 $0x32, s5  }
0xc: {  	s6 =	sadd.s32 $0xA00, s6;
	s10 =	smov.u32 s2;
	[sflag:s4] =	ssyncpa.u1 $0x0  }
0xd: {  	p0 =	por $0x0, $0x0;
	[sflag:s7] =	ssyncpa.u1 $0x0;
	s7 =	sor.u32 $0x1, s5  }
.LBB1_4:
0xe: {  	s16 =	sshll.u32 s13, $0x3;
	s17 =	sand.u32 $0x78, s13  }
0xf: {  	s30 =	sand.u32 $0x1F800, s13;
	s12 =	sshll.u32 s12, $0x11;
	s16 =	sand.u32 $0x3C00, s16  }
0x10: {  	[tilespmem:s15+$0x810 ss:$0x81] =	vst.msk $0xffff, v2;
	s31 =	sand.u32 $0x7, s13;
	s16 =	sor.u32 s17, s16;
	s17 =	sadd.s32 s3, s30  }
0x11: {  	[tilespmem:s15+$0x1020 ss:$0x81] =	vst.msk $0xffff, v0;
	s13 =	sshll.u32 s31, $0x12;
	s12 =	sadd.s32 s12, s17;
	s16 =	sshrl.u32 s16, $0x3  }
0x12: {  	[tilespmem:s15+$0x0 ss:$0x81] =	vst.msk $0xffff, v1;
	s13 =	sor.u32 $0x400, s13;
	s12 =	sadd.s32 s16, s12  }
0x13: {  	[hbm4b:s12+s13] =	stream.strided.scatter [tilespmem:s14], [sflag:$0x2], $0x2000, s8, s13, $0x20;
	[tilespmem:$0x8080] =	vst v63  }
.LBB1_5:
0x14: {  	s14 =	sadd.s32 $0x1, s9  }
0x15: {  	s12 =	sadd.s32 $0x1000, s10;
	s16 =	smov.u32 s10;
	p2 =	sgt.s32 s14, $0x31  }
0x16: {  	s16 =	smov.u32 @p2 s12  }
0x17: {  	s14 =	simm.s32 @p2 $0x0;
	p2 =	sgt.s32 s16, $0x3FFF  }
0x18: {  	s16 =	smov.u32 @p2 s2;
	p2 =	sne.s32 s11, s7  }
.Ltmp1:
0x19: {  	p1 =	slt.u32 s11, $0x2;
	(pc) =	sbr.rel @!p2 .LBB1_6-.Ltmp1, $4  }
0x1a: {  	s15 =	simm.s32 @!p1 $0x2  }
0x1b: {  	s13 =	smov.u32 s10;
	p0 =	por !p0, !p0;
	_ =	swait.ge @!p1 [sflag:s15], $0x2000  }
0x1c: {  	s12 =	smov.u32 s9;
	[sflag:s15] =	ssyncset.done @!p1 $0x0;
	s9 =	smov.u32 s14  }
0x1d: {  	s11 =	sadd.s32 $0x1, s11;
	[sflag:s15] =	ssyncadd.s32 @!p1 $0xFFFFE000;
	s10 =	smov.u32 s16  }
.LBB1_1:
0x1e: {  	p1 =	sge.u32 s11, s5  }
0x1f: {  	s14 =	sand.u32 @!p1 $0x1FFFFFF, s9  }
0x20: {  	s15 =	smulhi.u32 @!p1 $0x4924925, s14;
	_ =	sdelay $0x1  }
0x21: {  	s15 =	smul.u32 @!p1 $0x38, s15  }
0x22: {  	s16 =	sxor.u32 @!p1 $0xFFFFFFFF, s11;
	s17 =	smul.u32 @!p1 $0x380, s10  }
0x23: {  	s31 =	sadd.s32 $0xFFFFFFFF, s11;
	s16 =	sshll.u32 @!p1 s16, $0xD;
	s14 =	ssub.s32 @!p1 s14, s15  }
0x24: {  	s15 =	sand.u32 @!p1 $0x2000, s16;
	s16 =	sadd.s32 @!p1 s6, s17;
	s14 =	sshll.u32 @!p1 s14, $0x4  }
0x25: {  	s17 =	simm.s32 @!p1 $0x1C00;
	s14 =	sadd.s32 @!p1 s14, s16;
	s16 =	simm.s32 @!p1 $0x40  }
0x26: {  	[tilespmem:s15], [sflag:$0x1] =	stream.strided.gather @!p1 [hbm4b:s14+s16], $0x2000, s17, s16, $0x38;
	[tilespmem:$0x8080] =	vst v63  }
0x27: {  	p1 =	sge.u32 s31, s5  }
.Ltmp2:
0x28: {  	_ = 	snop;
	(pc) =	sbr.rel @p1 .LBB1_5-.Ltmp2, $1  }
0x29: {  	_ =	sdelay $0x3  }
0x2a: {  	s14 =	simm.s32 $0x1  }
0x2b: {  	_ =	swait.ge [sflag:s4], $0x2000;
	s14 =	simm.s32 @!p0 $0x0  }
0x2c: {  	[sflag:s4] =	ssyncset.done $0x0;
	s15 =	sshll.u32 s14, $0xD  }
0x2d: {  	[sflag:s4] =	ssyncadd.s32 $0xFFFFE000;
	s18 =	sor.u32 $0x20, s15  }
0x2e: {  	s14 =	smul.u32 $0x8100, s14;
	v3 =	vld [tilespmem:s18+$0x10]  }
0x2f: {  	s30 =	sand.u32 $0x1, s11;
	v2 =	vld [tilespmem:s18+$0xFFFFFFF0]  }
0x30: {  	s15 =	smul.u32 $0x8100, s30;
	s14 =	sshrl.u32 s14, $0x2;
	v0 =	vld [tilespmem:s18+$0x0]  }
0x31: {  	v1 =	vld [tilespmem:s18+$0xFFFFFFE0];
	s16 =	sor.u32 $0x4000, s14  }
0x32: {  	s31 =	sshrl.u32 s15, $0x2;
	s15 =	sadd.s32 $0x0, s16  }
0x33: {  	s17 =	simm.s32 $0x4;
	s18 =	sadd.s32 $0x40, s18;
	s14 =	sor.u32 $0x4000, s31;
	[tilespmem:s15+$0x1830 ss:$0x81] =	vst.msk $0xffff, v3  }
.LBB1_3:
0x34: {  	v3 =	vld [tilespmem:s18+$0x10];
	p1 =	sne.s32 s17, $0x1FC;
	[tilespmem:s15+$0x810 ss:$0x81] =	vst.msk $0xffff, v2;
	s19 =	smov.u32 s17;
	s17 =	sadd.s32 $0x4, s17  }
.Ltmp3:
0x35: {  	v2 =	vld [tilespmem:s18+$0xFFFFFFF0];
	[tilespmem:s15+$0x1020 ss:$0x81] =	vst.msk $0xffff, v0;
	(pc) =	sbr.rel @p1 .LBB1_3-.Ltmp3, $4  }
0x36: {  	v0 =	vld [tilespmem:s18+$0x0];
	[tilespmem:s15+$0x0 ss:$0x81] =	vst.msk $0xffff, v1  }
0x37: {  	s15 =	sshra.s32 s19, $0x2;
	v1 =	vld [tilespmem:s18+$0xFFFFFFE0]  }
0x38: {  	s15 =	sadd.s32 s15, s16  }
0x39: {  	s18 =	sadd.s32 $0x40, s18;
	[tilespmem:s15+$0x1830 ss:$0x81] =	vst.msk $0xffff, v3  }
.Ltmp4:
0x3a: {  	_ = 	snop;
	(pc) =	sbr.rel .LBB1_4-.Ltmp4, $1  }
0x3b: {  	_ =	sdelay $0x3  }
.LBB1_6:
0x3c: {  	_ =	sfence.sel $0x180000  }
0x3d: {  	s2 =	simm.s32 $0x1;
	[bflag:$0x0] =	sbarrier.arrive $0xFFFF  }
0x3e: {  	s31 =	simm.s32 $0x2;
	[sflag:s2] =	ssyncpa.u1 $0x1  }
0x3f: {  	[sflag:s31] =	ssyncpa.u1 $0x1  }
0x40: {  	p0 =	sne.s32 s0, $0x0;
	_ =	strace $0x9000004A  }
0x41: {  	s0 =	sadd.s32 @!p0 $0x100000, s1;
	[bflag:$0x2] =	sbarrier.arrive $0xFFFF  }
0x42: {  	[sflag:s0] =	ssyncadd.tile.s32 @!p0 $0x1;
	_ =	shalt  }
.Lfunc_end1:
_tile_overlayer_lowered:
.L_overlay_start_2:
0x43: {  	(tag) =	ssettag $0x2  }
0x44: {  	s0 =	rddreg [dreg:$0x0];
	s2 =	stileid.u32  }
0x45: {  	s1 =	rddreg [dreg:$0x1];
	p0 =	sne.s32 s2, $0x0  }
0x46: {  	s3 =	rddreg [dreg:$0x2];
	[bflag:$0x3] =	sbarrier.arrive $0xFFFF;
	s2 =	simm.s32 @!p0 $0x1C01  }
0x47: {  	[timem:s3], [sflag:s2] =	dma.local @!p0 [hbm:s0], s1  }
0x48: {  	s0 =	simm.s32 @!p0 $0x1  }
0x49: {  	_ =	swait.ge @!p0 [sflag:s0], s1  }
0x4a: {  	s1 =	ssub.s32 @!p0 $0x0, s1;
	[sflag:s0] =	ssyncset.done @!p0 $0x0  }
0x4b: {  	[sflag:s0] =	ssyncadd.s32 @!p0 s1  }
0x4c: {  	[bflag:$0x3] =	sbarrier.arrive $0xFFFF  }
0x4d: {  	_ =	shalt  }

</sc_bundles>
